<compile_context>
chip_gen: v7x
topology: tpu7x:2x2x1
jax: 0.10.2.dev20260603
libtpu: 0.0.44.dev20260713+nightly
codegen_flags: <defaults>
</compile_context>

<pallas_src>
import jax
import jax.numpy as jnp
from jax import lax
from jax.experimental import pallas as pl
from jax.experimental.pallas import tpu as pltpu
from jax.experimental.pallas import tpu_sc as plsc

NODE_DIM = 128
EDGE_DIM = 16
N_NODES = 10000
N_EDGES = 320000

NC = 2
NS = 16
NW = NC * NS
NSPLIT = 2
E_CHU = N_EDGES // NSPLIT
PER_W = E_CHU // NW
CHB = 40
NFULL = PER_W // CHB
G_DEPTH = 6

ROWS_PER_SUB = 624
TAIL_ROWS = N_NODES - NS * ROWS_PER_SUB
TAIL_OFF = NS * ROWS_PER_SUB

S_CH = 40
S_NCHUNK = PER_W // S_CH
S_DEPTH = 6

BE = 8000
BN = 1000


def _mesh():
    return plsc.VectorSubcoreMesh(
        core_axis_name="c", subcore_axis_name="s", num_cores=NC, num_subcores=NS)


_NEG_LOG2E = -1.4426950408889634
_LN2 = 0.6931471805599453


def _softplus(v):
    e = jnp.exp2(jnp.abs(v) * _NEG_LOG2E)
    return jnp.maximum(v, 0.0) + jnp.log2(1.0 + e) * _LN2



def _gather_body(x_hbm, row_m, col_m, xr_hbm, xc_hbm,
                 idx_rm, idx_cm, bufs_r, bufs_c, sems_r, sems_c):
    c = lax.axis_index("c")
    s = lax.axis_index("s")
    wid = s * NC + c
    base = wid * PER_W
    pltpu.sync_copy(row_m.at[wid], idx_rm)
    pltpu.sync_copy(col_m.at[wid], idx_cm)

    def fire(j, u):
        pltpu.async_copy(x_hbm.at[idx_rm.at[j]], bufs_r[u], sems_r[u])
        pltpu.async_copy(x_hbm.at[idx_cm.at[j]], bufs_c[u], sems_c[u])

    def drain_write(j, u):
        pltpu.make_async_copy(x_hbm.at[idx_rm.at[j]], bufs_r[u],
                              sems_r[u]).wait()
        pltpu.make_async_copy(x_hbm.at[idx_cm.at[j]], bufs_c[u],
                              sems_c[u]).wait()
        off = base + j * CHB
        pltpu.sync_copy(bufs_r[u], xr_hbm.at[pl.ds(off, CHB)])
        pltpu.sync_copy(bufs_c[u], xc_hbm.at[pl.ds(off, CHB)])

    for k in range(G_DEPTH):
        fire(k, k)

    ngrp = NFULL // G_DEPTH

    def body(t, carry):
        for u in range(G_DEPTH):
            j = t * G_DEPTH + u
            drain_write(j, u)

            @pl.when(j + G_DEPTH < NFULL)
            def _():
                fire(j + G_DEPTH, u)
        return carry

    lax.fori_loop(0, ngrp, body, 0)
    for u in range(NFULL - (NFULL // G_DEPTH) * G_DEPTH):
        drain_write((NFULL // G_DEPTH) * G_DEPTH + u, u)


@jax.jit
def _gather(x, row_m, col_m):
    def wrapped(x_hbm, row_m_, col_m_, xr_hbm, xc_hbm,
                idx_rm, idx_cm, *rest):
        bufs_r = rest[0:G_DEPTH]
        bufs_c = rest[G_DEPTH:2 * G_DEPTH]
        sems_r = rest[2 * G_DEPTH:3 * G_DEPTH]
        sems_c = rest[3 * G_DEPTH:4 * G_DEPTH]
        _gather_body(x_hbm, row_m_, col_m_, xr_hbm, xc_hbm,
                     idx_rm, idx_cm, bufs_r, bufs_c, sems_r, sems_c)

    f = pl.kernel(
        wrapped,
        out_type=(
            jax.ShapeDtypeStruct((E_CHU, NODE_DIM), jnp.float32),
            jax.ShapeDtypeStruct((E_CHU, NODE_DIM), jnp.float32),
        ),
        mesh=_mesh(),
        scratch_types=(
            [pltpu.VMEM((NFULL, CHB), jnp.int32)] * 2
            + [pltpu.VMEM((CHB, NODE_DIM), jnp.float32)] * (2 * G_DEPTH)
            + [pltpu.SemaphoreType.DMA] * (2 * G_DEPTH)
        ),
    )
    return f(x, row_m, col_m)



def _scatter_body(emb_hbm, col_s, zeros_hbm, out_hbm,
                  idx_m, b0, b1, b2, b3, b4, b5, shared,
                  s0, s1, s2, s3, s4, s5):
    c = lax.axis_index("c")
    s = lax.axis_index("s")
    wid = s * NC + c
    base = wid * PER_W
    r0 = s * ROWS_PER_SUB
    pltpu.sync_copy(zeros_hbm, shared.at[pl.ds(r0, ROWS_PER_SUB)])

    @pl.when(s == NS - 1)
    def _():
        pltpu.sync_copy(zeros_hbm.at[pl.ds(0, TAIL_ROWS)],
                        shared.at[pl.ds(TAIL_OFF, TAIL_ROWS)])

    pltpu.sync_copy(col_s.at[wid], idx_m)
    plsc.subcore_barrier()

    bufs = ((b0, s0), (b1, s1), (b2, s2), (b3, s3), (b4, s4), (b5, s5))

    def fire(j, k):
        b, sm = bufs[k]
        pltpu.async_copy(emb_hbm.at[pl.ds(base + j * S_CH, S_CH)], b, sm)

    def drain_add(j, k):
        b, sm = bufs[k]
        pltpu.make_async_copy(emb_hbm.at[pl.ds(base + j * S_CH, S_CH)], b,
                              sm).wait()
        pltpu.sync_copy(b, shared.at[idx_m.at[j]], add=True)

    for k in range(S_DEPTH):
        fire(k, k)

    ngrp = S_NCHUNK // S_DEPTH

    def body(t, carry):
        for u in range(S_DEPTH):
            j = t * S_DEPTH + u
            drain_add(j, u)

            @pl.when(j + S_DEPTH < S_NCHUNK)
            def _():
                fire(j + S_DEPTH, u)
        return carry

    lax.fori_loop(0, ngrp, body, 0)
    for u in range(S_NCHUNK - ngrp * S_DEPTH):
        drain_add(ngrp * S_DEPTH + u, u)

    plsc.subcore_barrier()
    pltpu.sync_copy(shared.at[pl.ds(r0, ROWS_PER_SUB)],
                    out_hbm.at[c, pl.ds(r0, ROWS_PER_SUB)])

    @pl.when(s == NS - 1)
    def _():
        pltpu.sync_copy(shared.at[pl.ds(TAIL_OFF, TAIL_ROWS)],
                        out_hbm.at[c, pl.ds(TAIL_OFF, TAIL_ROWS)])


@jax.jit
def _scatter(emb, col_s, zeros):
    f = pl.kernel(
        _scatter_body,
        out_type=jax.ShapeDtypeStruct((NC, N_NODES, NODE_DIM), jnp.float32),
        mesh=_mesh(),
        scratch_types=(
            [pltpu.VMEM((S_NCHUNK, S_CH), jnp.int32)]
            + [pltpu.VMEM((S_CH, NODE_DIM), jnp.float32)] * S_DEPTH
            + [pltpu.VMEM_SHARED((N_NODES, NODE_DIM), jnp.float32)]
            + [pltpu.SemaphoreType.DMA] * S_DEPTH
        ),
    )
    return f(emb, col_s, zeros)



def _edge_mlp_body(xr, xc, ea, w1a, w1b, w1c, b1, w2, b2, out):
    bf = jnp.bfloat16
    acc = jnp.dot(xr[...].astype(bf), w1a[...],
                  preferred_element_type=jnp.float32)
    acc += jnp.dot(xc[...].astype(bf), w1b[...],
                   preferred_element_type=jnp.float32)
    acc += jnp.dot(ea[...], w1c[...], preferred_element_type=jnp.float32)
    acc += b1[...]
    h = _softplus(acc)
    o = jnp.dot(h.astype(bf), w2[...],
                preferred_element_type=jnp.float32) + b2[...]
    out[...] = _softplus(o)


@jax.jit
def _edge_mlp(xr, xc, ea, w1a, w1b, w1c, b1, w2, b2):
    nblk = E_CHU // BE
    full = lambda shape: pl.BlockSpec(shape, lambda i: (0, 0))
    return pl.pallas_call(
        _edge_mlp_body,
        grid=(nblk,),
        in_specs=[
            pl.BlockSpec((BE, NODE_DIM), lambda i: (i, 0)),
            pl.BlockSpec((BE, NODE_DIM), lambda i: (i, 0)),
            pl.BlockSpec((BE, EDGE_DIM), lambda i: (i, 0)),
            full((NODE_DIM, 2 * NODE_DIM)),
            full((NODE_DIM, 2 * NODE_DIM)),
            full((EDGE_DIM, 2 * NODE_DIM)),
            full((1, 2 * NODE_DIM)),
            full((2 * NODE_DIM, NODE_DIM)),
            full((1, NODE_DIM)),
        ],
        out_specs=pl.BlockSpec((BE, NODE_DIM), lambda i: (i, 0)),
        out_shape=jax.ShapeDtypeStruct((E_CHU, NODE_DIM), jnp.float32),
        compiler_params=pltpu.CompilerParams(
            dimension_semantics=("parallel",)),
    )(xr, xc, ea, w1a, w1b, w1c, b1, w2, b2)



def _node_body(x, a0, a1, a2, a3, w3a, w3b, b3, out):
    ag = (a0[...] + a1[...]) + (a2[...] + a3[...])
    o = jnp.dot(x[...], w3a[...], preferred_element_type=jnp.float32)
    o += jnp.dot(ag, w3b[...], preferred_element_type=jnp.float32)
    o += b3[...]
    out[...] = _softplus(o) + x[...]


@jax.jit
def _node(x, a0, a1, a2, a3, w3a, w3b, b3):
    nblk = N_NODES // BN
    full = lambda shape: pl.BlockSpec(shape, lambda i: (0, 0))
    blk = pl.BlockSpec((BN, NODE_DIM), lambda i: (i, 0))
    return pl.pallas_call(
        _node_body,
        grid=(nblk,),
        in_specs=[
            blk, blk, blk, blk, blk,
            full((NODE_DIM, NODE_DIM)),
            full((NODE_DIM, NODE_DIM)),
            full((1, NODE_DIM)),
        ],
        out_specs=pl.BlockSpec((BN, NODE_DIM), lambda i: (i, 0)),
        out_shape=jax.ShapeDtypeStruct((N_NODES, NODE_DIM), jnp.float32),
        compiler_params=pltpu.CompilerParams(
            dimension_semantics=("parallel",)),
    )(x, a0, a1, a2, a3, w3a, w3b, b3)


def kernel(x, edge_index, edge_attr, W1, b1, W2, b2, W3, b3):
    row_m = edge_index[0].astype(jnp.int32).reshape(NSPLIT, NW, NFULL, CHB)
    col_m = edge_index[1].astype(jnp.int32).reshape(NSPLIT, NW, NFULL, CHB)
    bf = jnp.bfloat16
    w1a = W1[:NODE_DIM].astype(bf)
    w1b = W1[NODE_DIM:2 * NODE_DIM].astype(bf)
    w1c = W1[2 * NODE_DIM:].astype(bf)
    b1r = b1.reshape(1, -1)
    w2 = W2.astype(bf)
    b2r = b2.reshape(1, -1)
    zeros = jnp.zeros((ROWS_PER_SUB, NODE_DIM), jnp.float32)
    ea = edge_attr.astype(bf)

    parts = []
    for t in range(NSPLIT):
        xr, xc = _gather(x, row_m[t], col_m[t])
        emb = _edge_mlp(xr, xc, ea[t * E_CHU:(t + 1) * E_CHU],
                        w1a, w1b, w1c, b1r, w2, b2r)
        parts.append(_scatter(emb, col_m[t], zeros))
    return _node(x, parts[0][0], parts[0][1], parts[1][0], parts[1][1],
                 W3[:NODE_DIM], W3[NODE_DIM:], b3.reshape(1, -1))

# --- scband reference (transcript-rebuilt; emitter-appended) ---
"""Pipeline reference for scband-conv-layer-51771535786262 (READ-ONLY COPY).

The authoritative reference and input builder live on the scoring server;
editing this copy changes nothing except your own understanding.
"""

import jax, jax.numpy as jnp
import numpy as np

NODE_DIM = 128
EDGE_DIM = 16
N_NODES = 10000
N_EDGES = 320000


def setup_inputs(seed: int = 0) -> dict:
    key = jax.random.key(seed)
    ks = jax.random.split(key, 10)
    x = jax.random.normal(ks[0], (N_NODES, NODE_DIM), dtype=jnp.float32)
    edge_index = jax.random.randint(ks[1], (2, N_EDGES), 0, N_NODES, dtype=jnp.int64)
    edge_attr = jax.random.normal(ks[2], (N_EDGES, EDGE_DIM), dtype=jnp.float32)
    # edge_net: Linear(2*node_dim+edge_dim -> 2*node_dim), Softplus, Linear(2*node_dim -> node_dim), Softplus
    fan1 = 2 * NODE_DIM + EDGE_DIM
    W1 = jax.random.uniform(ks[3], (fan1, 2 * NODE_DIM), minval=-1.0, maxval=1.0, dtype=jnp.float32) / np.sqrt(fan1)
    b1 = jax.random.uniform(ks[4], (2 * NODE_DIM,), minval=-1.0, maxval=1.0, dtype=jnp.float32) / np.sqrt(fan1)
    fan2 = 2 * NODE_DIM
    W2 = jax.random.uniform(ks[5], (fan2, NODE_DIM), minval=-1.0, maxval=1.0, dtype=jnp.float32) / np.sqrt(fan2)
    b2 = jax.random.uniform(ks[6], (NODE_DIM,), minval=-1.0, maxval=1.0, dtype=jnp.float32) / np.sqrt(fan2)
    # node_net: Linear(2*node_dim -> node_dim), Softplus
    fan3 = 2 * NODE_DIM
    W3 = jax.random.uniform(ks[7], (fan3, NODE_DIM), minval=-1.0, maxval=1.0, dtype=jnp.float32) / np.sqrt(fan3)
    b3 = jax.random.uniform(ks[8], (NODE_DIM,), minval=-1.0, maxval=1.0, dtype=jnp.float32) / np.sqrt(fan3)
    return {"x": x, "edge_index": edge_index, "edge_attr": edge_attr,
            "W1": W1, "b1": b1, "W2": W2, "b2": b2, "W3": W3, "b3": b3}


def reference(x, edge_index, edge_attr, W1, b1, W2, b2, W3, b3):
    row = edge_index[0]
    col = edge_index[1]
    edge_input = jnp.concatenate([jnp.take(x, row, axis=0), jnp.take(x, col, axis=0), edge_attr], axis=-1)
    h = jax.nn.softplus(edge_input @ W1 + b1)
    edge_emb = jax.nn.softplus(h @ W2 + b2)
    aggr = jnp.zeros_like(x).at[col].add(edge_emb)
    node_input = jnp.concatenate([x, aggr], axis=-1)
    x_new = jax.nn.softplus(node_input @ W3 + b3)
    return x_new + x

if __name__ == "__main__":
    import jax
    _d = setup_inputs()
    print(jax.jit(kernel)(*tuple(_d.values())))

</pallas_src>

<mosaic_0001>
#map = affine_map<(d0, d1) -> (0, 0)>
#map1 = affine_map<(d0, d1) -> (0, 0, 0)>
module attributes {stable_mosaic.version = 14 : i64} {
  func.func @wrapped(%arg0: i32, %arg1: i32, %arg2: memref<10000x128xf32, #tpu.memory_space<hbm>>, %arg3: memref<32x125x40xi32, #tpu.memory_space<hbm>>, %arg4: memref<32x125x40xi32, #tpu.memory_space<hbm>>, %arg5: memref<160000x128xf32, #tpu.memory_space<hbm>>, %arg6: memref<160000x128xf32, #tpu.memory_space<hbm>>, %arg7: memref<125x40xi32, #tpu.memory_space<vmem>>, %arg8: memref<125x40xi32, #tpu.memory_space<vmem>>, %arg9: memref<40x128xf32, #tpu.memory_space<vmem>>, %arg10: memref<40x128xf32, #tpu.memory_space<vmem>>, %arg11: memref<40x128xf32, #tpu.memory_space<vmem>>, %arg12: memref<40x128xf32, #tpu.memory_space<vmem>>, %arg13: memref<40x128xf32, #tpu.memory_space<vmem>>, %arg14: memref<40x128xf32, #tpu.memory_space<vmem>>, %arg15: memref<40x128xf32, #tpu.memory_space<vmem>>, %arg16: memref<40x128xf32, #tpu.memory_space<vmem>>, %arg17: memref<40x128xf32, #tpu.memory_space<vmem>>, %arg18: memref<40x128xf32, #tpu.memory_space<vmem>>, %arg19: memref<40x128xf32, #tpu.memory_space<vmem>>, %arg20: memref<40x128xf32, #tpu.memory_space<vmem>>, %arg21: memref<!tpu.dma_semaphore, #tpu.memory_space<semaphore_mem>>, %arg22: memref<!tpu.dma_semaphore, #tpu.memory_space<semaphore_mem>>, %arg23: memref<!tpu.dma_semaphore, #tpu.memory_space<semaphore_mem>>, %arg24: memref<!tpu.dma_semaphore, #tpu.memory_space<semaphore_mem>>, %arg25: memref<!tpu.dma_semaphore, #tpu.memory_space<semaphore_mem>>, %arg26: memref<!tpu.dma_semaphore, #tpu.memory_space<semaphore_mem>>, %arg27: memref<!tpu.dma_semaphore, #tpu.memory_space<semaphore_mem>>, %arg28: memref<!tpu.dma_semaphore, #tpu.memory_space<semaphore_mem>>, %arg29: memref<!tpu.dma_semaphore, #tpu.memory_space<semaphore_mem>>, %arg30: memref<!tpu.dma_semaphore, #tpu.memory_space<semaphore_mem>>, %arg31: memref<!tpu.dma_semaphore, #tpu.memory_space<semaphore_mem>>, %arg32: memref<!tpu.dma_semaphore, #tpu.memory_space<semaphore_mem>>) attributes {dimension_semantics = [#tpu.dimension_semantics<core_parallel>, #tpu.dimension_semantics<subcore_parallel>], iteration_bounds = array<i64: 2, 16>, scalar_prefetch = 0 : i64, scratch_operands = 26 : i64, tpu.core_type = #tpu.core_type<sc_vector_subcore>, window_params = [{transform_indices = #map}, {transform_indices = #map1}, {transform_indices = #map1}, {transform_indices = #map}, {transform_indices = #map}]} {
    %mul3A = arith.constant 2 : i32
    %mul3A_0 = arith.muli %arg1, %mul3A : i32
    %add3A = arith.addi %mul3A_0, %arg0 : i32
    %mul3A_1 = arith.constant 5000 : i32
    %mul3A_2 = arith.muli %add3A, %mul3A_1 : i32
    "tpu.region"() ({
      %run_scoped3A = tpu.sem_alloc : memref<!tpu.dma_semaphore, #tpu.memory_space<semaphore_mem>>
      %dma_start3A_170 = arith.constant 0 : i32
      %dma_start3A_171 = arith.constant 0 : i32
      %dma_start3A_172 = tpu.memref_slice %arg3[%add3A, %dma_start3A_170, %dma_start3A_171] : memref<32x125x40xi32, #tpu.memory_space<hbm>> -> memref<1x125x40xi32, #tpu.memory_space<hbm>>
      %dma_start3A_173 = tpu.memref_squeeze %dma_start3A_172 : memref<1x125x40xi32, #tpu.memory_space<hbm>> -> memref<125x40xi32, #tpu.memory_space<hbm>>
      %dma_start3A_174 = arith.constant 0 : i32
      %dma_start3A_175 = arith.constant 0 : i32
      %dma_start3A_176 = tpu.memref_slice %arg3[%add3A, %dma_start3A_174, %dma_start3A_175] : memref<32x125x40xi32, #tpu.memory_space<hbm>> -> memref<1x125x40xi32, #tpu.memory_space<hbm>>
      %dma_start3A_177 = tpu.memref_squeeze %dma_start3A_176 : memref<1x125x40xi32, #tpu.memory_space<hbm>> -> memref<125x40xi32, #tpu.memory_space<hbm>>
      tpu.enqueue_dma source(%dma_start3A_177 : memref<125x40xi32, #tpu.memory_space<hbm>>) target(%arg7 : memref<125x40xi32, #tpu.memory_space<vmem>>) target_semaphore(%run_scoped3A : memref<!tpu.dma_semaphore, #tpu.memory_space<semaphore_mem>>)
      %dma_wait3A_178 = arith.constant 0 : i32
      %dma_wait3A_179 = arith.constant 0 : i32
      %dma_wait3A_180 = tpu.memref_slice %arg3[%add3A, %dma_wait3A_178, %dma_wait3A_179] : memref<32x125x40xi32, #tpu.memory_space<hbm>> -> memref<1x125x40xi32, #tpu.memory_space<hbm>>
      %dma_wait3A_181 = tpu.memref_squeeze %dma_wait3A_180 : memref<1x125x40xi32, #tpu.memory_space<hbm>> -> memref<125x40xi32, #tpu.memory_space<hbm>>
      %dma_wait3A_182 = arith.constant 0 : i32
      %dma_wait3A_183 = arith.constant 0 : i32
      %dma_wait3A_184 = tpu.memref_slice %arg3[%add3A, %dma_wait3A_182, %dma_wait3A_183] : memref<32x125x40xi32, #tpu.memory_space<hbm>> -> memref<1x125x40xi32, #tpu.memory_space<hbm>>
      %dma_wait3A_185 = tpu.memref_squeeze %dma_wait3A_184 : memref<1x125x40xi32, #tpu.memory_space<hbm>> -> memref<125x40xi32, #tpu.memory_space<hbm>>
      tpu.wait_dma2 semaphore(%run_scoped3A : memref<!tpu.dma_semaphore, #tpu.memory_space<semaphore_mem>>) src(%dma_wait3A_185 : memref<125x40xi32, #tpu.memory_space<hbm>>) dst(%arg7 : memref<125x40xi32, #tpu.memory_space<vmem>>)
      tpu.yield
    }) : () -> ()
    "tpu.region"() ({
      %run_scoped3A = tpu.sem_alloc : memref<!tpu.dma_semaphore, #tpu.memory_space<semaphore_mem>>
      %dma_start3A_170 = arith.constant 0 : i32
      %dma_start3A_171 = arith.constant 0 : i32
      %dma_start3A_172 = tpu.memref_slice %arg4[%add3A, %dma_start3A_170, %dma_start3A_171] : memref<32x125x40xi32, #tpu.memory_space<hbm>> -> memref<1x125x40xi32, #tpu.memory_space<hbm>>
      %dma_start3A_173 = tpu.memref_squeeze %dma_start3A_172 : memref<1x125x40xi32, #tpu.memory_space<hbm>> -> memref<125x40xi32, #tpu.memory_space<hbm>>
      %dma_start3A_174 = arith.constant 0 : i32
      %dma_start3A_175 = arith.constant 0 : i32
      %dma_start3A_176 = tpu.memref_slice %arg4[%add3A, %dma_start3A_174, %dma_start3A_175] : memref<32x125x40xi32, #tpu.memory_space<hbm>> -> memref<1x125x40xi32, #tpu.memory_space<hbm>>
      %dma_start3A_177 = tpu.memref_squeeze %dma_start3A_176 : memref<1x125x40xi32, #tpu.memory_space<hbm>> -> memref<125x40xi32, #tpu.memory_space<hbm>>
      tpu.enqueue_dma source(%dma_start3A_177 : memref<125x40xi32, #tpu.memory_space<hbm>>) target(%arg8 : memref<125x40xi32, #tpu.memory_space<vmem>>) target_semaphore(%run_scoped3A : memref<!tpu.dma_semaphore, #tpu.memory_space<semaphore_mem>>)
      %dma_wait3A_178 = arith.constant 0 : i32
      %dma_wait3A_179 = arith.constant 0 : i32
      %dma_wait3A_180 = tpu.memref_slice %arg4[%add3A, %dma_wait3A_178, %dma_wait3A_179] : memref<32x125x40xi32, #tpu.memory_space<hbm>> -> memref<1x125x40xi32, #tpu.memory_space<hbm>>
      %dma_wait3A_181 = tpu.memref_squeeze %dma_wait3A_180 : memref<1x125x40xi32, #tpu.memory_space<hbm>> -> memref<125x40xi32, #tpu.memory_space<hbm>>
      %dma_wait3A_182 = arith.constant 0 : i32
      %dma_wait3A_183 = arith.constant 0 : i32
      %dma_wait3A_184 = tpu.memref_slice %arg4[%add3A, %dma_wait3A_182, %dma_wait3A_183] : memref<32x125x40xi32, #tpu.memory_space<hbm>> -> memref<1x125x40xi32, #tpu.memory_space<hbm>>
      %dma_wait3A_185 = tpu.memref_squeeze %dma_wait3A_184 : memref<1x125x40xi32, #tpu.memory_space<hbm>> -> memref<125x40xi32, #tpu.memory_space<hbm>>
      tpu.wait_dma2 semaphore(%run_scoped3A : memref<!tpu.dma_semaphore, #tpu.memory_space<semaphore_mem>>) src(%dma_wait3A_185 : memref<125x40xi32, #tpu.memory_space<hbm>>) dst(%arg8 : memref<125x40xi32, #tpu.memory_space<vmem>>)
      tpu.yield
    }) : () -> ()
    %dma_start3A = arith.constant 0 : i32
    %dma_start3A_3 = arith.constant 0 : i32
    %dma_start3A_4 = tpu.memref_slice %arg7[%dma_start3A, %dma_start3A_3] : memref<125x40xi32, #tpu.memory_space<vmem>> -> memref<1x40xi32, #tpu.memory_space<vmem>>
    %dma_start3A_5 = tpu.memref_squeeze %dma_start3A_4 : memref<1x40xi32, #tpu.memory_space<vmem>> -> memref<40xi32, #tpu.memory_space<vmem>>
    %dma_start3A_6 = arith.constant 0 : i32
    %dma_start3A_7 = arith.constant 0 : i32
    %dma_start3A_8 = tpu.memref_slice %arg2[%dma_start3A_6, %dma_start3A_7] : memref<10000x128xf32, #tpu.memory_space<hbm>> -> memref<10000x128xf32, #tpu.memory_space<hbm>>
    tpu.enqueue_indirect_dma source(%dma_start3A_8 : memref<10000x128xf32, #tpu.memory_space<hbm>>) target(%arg9 : memref<40x128xf32, #tpu.memory_space<vmem>>) offsets(%dma_start3A_5 : memref<40xi32, #tpu.memory_space<vmem>>) semaphore(%arg21 : memref<!tpu.dma_semaphore, #tpu.memory_space<semaphore_mem>>)
    %dma_start3A_9 = arith.constant 0 : i32
    %dma_start3A_10 = arith.constant 0 : i32
    %dma_start3A_11 = tpu.memref_slice %arg8[%dma_start3A_9, %dma_start3A_10] : memref<125x40xi32, #tpu.memory_space<vmem>> -> memref<1x40xi32, #tpu.memory_space<vmem>>
    %dma_start3A_12 = tpu.memref_squeeze %dma_start3A_11 : memref<1x40xi32, #tpu.memory_space<vmem>> -> memref<40xi32, #tpu.memory_space<vmem>>
    %dma_start3A_13 = arith.constant 0 : i32
    %dma_start3A_14 = arith.constant 0 : i32
    %dma_start3A_15 = tpu.memref_slice %arg2[%dma_start3A_13, %dma_start3A_14] : memref<10000x128xf32, #tpu.memory_space<hbm>> -> memref<10000x128xf32, #tpu.memory_space<hbm>>
    tpu.enqueue_indirect_dma source(%dma_start3A_15 : memref<10000x128xf32, #tpu.memory_space<hbm>>) target(%arg15 : memref<40x128xf32, #tpu.memory_space<vmem>>) offsets(%dma_start3A_12 : memref<40xi32, #tpu.memory_space<vmem>>) semaphore(%arg27 : memref<!tpu.dma_semaphore, #tpu.memory_space<semaphore_mem>>)
    %dma_start3A_16 = arith.constant 1 : i32
    %dma_start3A_17 = arith.constant 0 : i32
    %dma_start3A_18 = tpu.memref_slice %arg7[%dma_start3A_16, %dma_start3A_17] : memref<125x40xi32, #tpu.memory_space<vmem>> -> memref<1x40xi32, #tpu.memory_space<vmem>>
    %dma_start3A_19 = tpu.memref_squeeze %dma_start3A_18 : memref<1x40xi32, #tpu.memory_space<vmem>> -> memref<40xi32, #tpu.memory_space<vmem>>
    %dma_start3A_20 = arith.constant 0 : i32
    %dma_start3A_21 = arith.constant 0 : i32
    %dma_start3A_22 = tpu.memref_slice %arg2[%dma_start3A_20, %dma_start3A_21] : memref<10000x128xf32, #tpu.memory_space<hbm>> -> memref<10000x128xf32, #tpu.memory_space<hbm>>
    tpu.enqueue_indirect_dma source(%dma_start3A_22 : memref<10000x128xf32, #tpu.memory_space<hbm>>) target(%arg10 : memref<40x128xf32, #tpu.memory_space<vmem>>) offsets(%dma_start3A_19 : memref<40xi32, #tpu.memory_space<vmem>>) semaphore(%arg22 : memref<!tpu.dma_semaphore, #tpu.memory_space<semaphore_mem>>)
    %dma_start3A_23 = arith.constant 1 : i32
    %dma_start3A_24 = arith.constant 0 : i32
    %dma_start3A_25 = tpu.memref_slice %arg8[%dma_start3A_23, %dma_start3A_24] : memref<125x40xi32, #tpu.memory_space<vmem>> -> memref<1x40xi32, #tpu.memory_space<vmem>>
    %dma_start3A_26 = tpu.memref_squeeze %dma_start3A_25 : memref<1x40xi32, #tpu.memory_space<vmem>> -> memref<40xi32, #tpu.memory_space<vmem>>
    %dma_start3A_27 = arith.constant 0 : i32
    %dma_start3A_28 = arith.constant 0 : i32
    %dma_start3A_29 = tpu.memref_slice %arg2[%dma_start3A_27, %dma_start3A_28] : memref<10000x128xf32, #tpu.memory_space<hbm>> -> memref<10000x128xf32, #tpu.memory_space<hbm>>
    tpu.enqueue_indirect_dma source(%dma_start3A_29 : memref<10000x128xf32, #tpu.memory_space<hbm>>) target(%arg16 : memref<40x128xf32, #tpu.memory_space<vmem>>) offsets(%dma_start3A_26 : memref<40xi32, #tpu.memory_space<vmem>>) semaphore(%arg28 : memref<!tpu.dma_semaphore, #tpu.memory_space<semaphore_mem>>)
    %dma_start3A_30 = arith.constant 2 : i32
    %dma_start3A_31 = arith.constant 0 : i32
    %dma_start3A_32 = tpu.memref_slice %arg7[%dma_start3A_30, %dma_start3A_31] : memref<125x40xi32, #tpu.memory_space<vmem>> -> memref<1x40xi32, #tpu.memory_space<vmem>>
    %dma_start3A_33 = tpu.memref_squeeze %dma_start3A_32 : memref<1x40xi32, #tpu.memory_space<vmem>> -> memref<40xi32, #tpu.memory_space<vmem>>
    %dma_start3A_34 = arith.constant 0 : i32
    %dma_start3A_35 = arith.constant 0 : i32
    %dma_start3A_36 = tpu.memref_slice %arg2[%dma_start3A_34, %dma_start3A_35] : memref<10000x128xf32, #tpu.memory_space<hbm>> -> memref<10000x128xf32, #tpu.memory_space<hbm>>
    tpu.enqueue_indirect_dma source(%dma_start3A_36 : memref<10000x128xf32, #tpu.memory_space<hbm>>) target(%arg11 : memref<40x128xf32, #tpu.memory_space<vmem>>) offsets(%dma_start3A_33 : memref<40xi32, #tpu.memory_space<vmem>>) semaphore(%arg23 : memref<!tpu.dma_semaphore, #tpu.memory_space<semaphore_mem>>)
    %dma_start3A_37 = arith.constant 2 : i32
    %dma_start3A_38 = arith.constant 0 : i32
    %dma_start3A_39 = tpu.memref_slice %arg8[%dma_start3A_37, %dma_start3A_38] : memref<125x40xi32, #tpu.memory_space<vmem>> -> memref<1x40xi32, #tpu.memory_space<vmem>>
    %dma_start3A_40 = tpu.memref_squeeze %dma_start3A_39 : memref<1x40xi32, #tpu.memory_space<vmem>> -> memref<40xi32, #tpu.memory_space<vmem>>
    %dma_start3A_41 = arith.constant 0 : i32
    %dma_start3A_42 = arith.constant 0 : i32
    %dma_start3A_43 = tpu.memref_slice %arg2[%dma_start3A_41, %dma_start3A_42] : memref<10000x128xf32, #tpu.memory_space<hbm>> -> memref<10000x128xf32, #tpu.memory_space<hbm>>
    tpu.enqueue_indirect_dma source(%dma_start3A_43 : memref<10000x128xf32, #tpu.memory_space<hbm>>) target(%arg17 : memref<40x128xf32, #tpu.memory_space<vmem>>) offsets(%dma_start3A_40 : memref<40xi32, #tpu.memory_space<vmem>>) semaphore(%arg29 : memref<!tpu.dma_semaphore, #tpu.memory_space<semaphore_mem>>)
    %dma_start3A_44 = arith.constant 3 : i32
    %dma_start3A_45 = arith.constant 0 : i32
    %dma_start3A_46 = tpu.memref_slice %arg7[%dma_start3A_44, %dma_start3A_45] : memref<125x40xi32, #tpu.memory_space<vmem>> -> memref<1x40xi32, #tpu.memory_space<vmem>>
    %dma_start3A_47 = tpu.memref_squeeze %dma_start3A_46 : memref<1x40xi32, #tpu.memory_space<vmem>> -> memref<40xi32, #tpu.memory_space<vmem>>
    %dma_start3A_48 = arith.constant 0 : i32
    %dma_start3A_49 = arith.constant 0 : i32
    %dma_start3A_50 = tpu.memref_slice %arg2[%dma_start3A_48, %dma_start3A_49] : memref<10000x128xf32, #tpu.memory_space<hbm>> -> memref<10000x128xf32, #tpu.memory_space<hbm>>
    tpu.enqueue_indirect_dma source(%dma_start3A_50 : memref<10000x128xf32, #tpu.memory_space<hbm>>) target(%arg12 : memref<40x128xf32, #tpu.memory_space<vmem>>) offsets(%dma_start3A_47 : memref<40xi32, #tpu.memory_space<vmem>>) semaphore(%arg24 : memref<!tpu.dma_semaphore, #tpu.memory_space<semaphore_mem>>)
    %dma_start3A_51 = arith.constant 3 : i32
    %dma_start3A_52 = arith.constant 0 : i32
    %dma_start3A_53 = tpu.memref_slice %arg8[%dma_start3A_51, %dma_start3A_52] : memref<125x40xi32, #tpu.memory_space<vmem>> -> memref<1x40xi32, #tpu.memory_space<vmem>>
    %dma_start3A_54 = tpu.memref_squeeze %dma_start3A_53 : memref<1x40xi32, #tpu.memory_space<vmem>> -> memref<40xi32, #tpu.memory_space<vmem>>
    %dma_start3A_55 = arith.constant 0 : i32
    %dma_start3A_56 = arith.constant 0 : i32
    %dma_start3A_57 = tpu.memref_slice %arg2[%dma_start3A_55, %dma_start3A_56] : memref<10000x128xf32, #tpu.memory_space<hbm>> -> memref<10000x128xf32, #tpu.memory_space<hbm>>
    tpu.enqueue_indirect_dma source(%dma_start3A_57 : memref<10000x128xf32, #tpu.memory_space<hbm>>) target(%arg18 : memref<40x128xf32, #tpu.memory_space<vmem>>) offsets(%dma_start3A_54 : memref<40xi32, #tpu.memory_space<vmem>>) semaphore(%arg30 : memref<!tpu.dma_semaphore, #tpu.memory_space<semaphore_mem>>)
    %dma_start3A_58 = arith.constant 4 : i32
    %dma_start3A_59 = arith.constant 0 : i32
    %dma_start3A_60 = tpu.memref_slice %arg7[%dma_start3A_58, %dma_start3A_59] : memref<125x40xi32, #tpu.memory_space<vmem>> -> memref<1x40xi32, #tpu.memory_space<vmem>>
    %dma_start3A_61 = tpu.memref_squeeze %dma_start3A_60 : memref<1x40xi32, #tpu.memory_space<vmem>> -> memref<40xi32, #tpu.memory_space<vmem>>
    %dma_start3A_62 = arith.constant 0 : i32
    %dma_start3A_63 = arith.constant 0 : i32
    %dma_start3A_64 = tpu.memref_slice %arg2[%dma_start3A_62, %dma_start3A_63] : memref<10000x128xf32, #tpu.memory_space<hbm>> -> memref<10000x128xf32, #tpu.memory_space<hbm>>
    tpu.enqueue_indirect_dma source(%dma_start3A_64 : memref<10000x128xf32, #tpu.memory_space<hbm>>) target(%arg13 : memref<40x128xf32, #tpu.memory_space<vmem>>) offsets(%dma_start3A_61 : memref<40xi32, #tpu.memory_space<vmem>>) semaphore(%arg25 : memref<!tpu.dma_semaphore, #tpu.memory_space<semaphore_mem>>)
    %dma_start3A_65 = arith.constant 4 : i32
    %dma_start3A_66 = arith.constant 0 : i32
    %dma_start3A_67 = tpu.memref_slice %arg8[%dma_start3A_65, %dma_start3A_66] : memref<125x40xi32, #tpu.memory_space<vmem>> -> memref<1x40xi32, #tpu.memory_space<vmem>>
    %dma_start3A_68 = tpu.memref_squeeze %dma_start3A_67 : memref<1x40xi32, #tpu.memory_space<vmem>> -> memref<40xi32, #tpu.memory_space<vmem>>
    %dma_start3A_69 = arith.constant 0 : i32
    %dma_start3A_70 = arith.constant 0 : i32
    %dma_start3A_71 = tpu.memref_slice %arg2[%dma_start3A_69, %dma_start3A_70] : memref<10000x128xf32, #tpu.memory_space<hbm>> -> memref<10000x128xf32, #tpu.memory_space<hbm>>
    tpu.enqueue_indirect_dma source(%dma_start3A_71 : memref<10000x128xf32, #tpu.memory_space<hbm>>) target(%arg19 : memref<40x128xf32, #tpu.memory_space<vmem>>) offsets(%dma_start3A_68 : memref<40xi32, #tpu.memory_space<vmem>>) semaphore(%arg31 : memref<!tpu.dma_semaphore, #tpu.memory_space<semaphore_mem>>)
    %dma_start3A_72 = arith.constant 5 : i32
    %dma_start3A_73 = arith.constant 0 : i32
    %dma_start3A_74 = tpu.memref_slice %arg7[%dma_start3A_72, %dma_start3A_73] : memref<125x40xi32, #tpu.memory_space<vmem>> -> memref<1x40xi32, #tpu.memory_space<vmem>>
    %dma_start3A_75 = tpu.memref_squeeze %dma_start3A_74 : memref<1x40xi32, #tpu.memory_space<vmem>> -> memref<40xi32, #tpu.memory_space<vmem>>
    %dma_start3A_76 = arith.constant 0 : i32
    %dma_start3A_77 = arith.constant 0 : i32
    %dma_start3A_78 = tpu.memref_slice %arg2[%dma_start3A_76, %dma_start3A_77] : memref<10000x128xf32, #tpu.memory_space<hbm>> -> memref<10000x128xf32, #tpu.memory_space<hbm>>
    tpu.enqueue_indirect_dma source(%dma_start3A_78 : memref<10000x128xf32, #tpu.memory_space<hbm>>) target(%arg14 : memref<40x128xf32, #tpu.memory_space<vmem>>) offsets(%dma_start3A_75 : memref<40xi32, #tpu.memory_space<vmem>>) semaphore(%arg26 : memref<!tpu.dma_semaphore, #tpu.memory_space<semaphore_mem>>)
    %dma_start3A_79 = arith.constant 5 : i32
    %dma_start3A_80 = arith.constant 0 : i32
    %dma_start3A_81 = tpu.memref_slice %arg8[%dma_start3A_79, %dma_start3A_80] : memref<125x40xi32, #tpu.memory_space<vmem>> -> memref<1x40xi32, #tpu.memory_space<vmem>>
    %dma_start3A_82 = tpu.memref_squeeze %dma_start3A_81 : memref<1x40xi32, #tpu.memory_space<vmem>> -> memref<40xi32, #tpu.memory_space<vmem>>
    %dma_start3A_83 = arith.constant 0 : i32
    %dma_start3A_84 = arith.constant 0 : i32
    %dma_start3A_85 = tpu.memref_slice %arg2[%dma_start3A_83, %dma_start3A_84] : memref<10000x128xf32, #tpu.memory_space<hbm>> -> memref<10000x128xf32, #tpu.memory_space<hbm>>
    tpu.enqueue_indirect_dma source(%dma_start3A_85 : memref<10000x128xf32, #tpu.memory_space<hbm>>) target(%arg20 : memref<40x128xf32, #tpu.memory_space<vmem>>) offsets(%dma_start3A_82 : memref<40xi32, #tpu.memory_space<vmem>>) semaphore(%arg32 : memref<!tpu.dma_semaphore, #tpu.memory_space<semaphore_mem>>)
    %scan3A = arith.constant 0 : i32
    %scan3A_86 = arith.constant 0 : i32
    %scan3A_87 = arith.constant 20 : i32
    %scan3A_88 = arith.addi %scan3A_86, %scan3A_87 : i32
    %scan3A_89 = arith.constant 1 : i32
    scf.for %scan3A_170 = %scan3A_86 to %scan3A_88 step %scan3A_89  : i32 {
      %mul3A_171 = arith.constant 6 : i32
      %mul3A_172 = arith.muli %scan3A_170, %mul3A_171 : i32
      %add3A_173 = arith.constant 0 : i32
      %add3A_174 = arith.addi %mul3A_172, %add3A_173 : i32
      %dma_wait3A_175 = arith.constant 0 : i32
      %dma_wait3A_176 = tpu.memref_slice %arg7[%add3A_174, %dma_wait3A_175] : memref<125x40xi32, #tpu.memory_space<vmem>> -> memref<1x40xi32, #tpu.memory_space<vmem>>
      %dma_wait3A_177 = tpu.memref_squeeze %dma_wait3A_176 : memref<1x40xi32, #tpu.memory_space<vmem>> -> memref<40xi32, #tpu.memory_space<vmem>>
      %dma_wait3A_178 = arith.constant 0 : i32
      %dma_wait3A_179 = arith.constant 0 : i32
      %dma_wait3A_180 = tpu.memref_slice %arg2[%dma_wait3A_178, %dma_wait3A_179] : memref<10000x128xf32, #tpu.memory_space<hbm>> -> memref<10000x128xf32, #tpu.memory_space<hbm>>
      tpu.wait_indirect_dma semaphore(%arg21 : memref<!tpu.dma_semaphore, #tpu.memory_space<semaphore_mem>>) src(%dma_wait3A_180 : memref<10000x128xf32, #tpu.memory_space<hbm>>) dst(%arg9 : memref<40x128xf32, #tpu.memory_space<vmem>>)
      %dma_wait3A_181 = arith.constant 0 : i32
      %dma_wait3A_182 = tpu.memref_slice %arg8[%add3A_174, %dma_wait3A_181] : memref<125x40xi32, #tpu.memory_space<vmem>> -> memref<1x40xi32, #tpu.memory_space<vmem>>
      %dma_wait3A_183 = tpu.memref_squeeze %dma_wait3A_182 : memref<1x40xi32, #tpu.memory_space<vmem>> -> memref<40xi32, #tpu.memory_space<vmem>>
      %dma_wait3A_184 = arith.constant 0 : i32
      %dma_wait3A_185 = arith.constant 0 : i32
      %dma_wait3A_186 = tpu.memref_slice %arg2[%dma_wait3A_184, %dma_wait3A_185] : memref<10000x128xf32, #tpu.memory_space<hbm>> -> memref<10000x128xf32, #tpu.memory_space<hbm>>
      tpu.wait_indirect_dma semaphore(%arg27 : memref<!tpu.dma_semaphore, #tpu.memory_space<semaphore_mem>>) src(%dma_wait3A_186 : memref<10000x128xf32, #tpu.memory_space<hbm>>) dst(%arg15 : memref<40x128xf32, #tpu.memory_space<vmem>>)
      %mul3A_187 = arith.constant 40 : i32
      %mul3A_188 = arith.muli %add3A_174, %mul3A_187 : i32
      %add3A_189 = arith.addi %mul3A_2, %mul3A_188 : i32
      "tpu.region"() ({
        %run_scoped3A = tpu.sem_alloc : memref<!tpu.dma_semaphore, #tpu.memory_space<semaphore_mem>>
        %dma_start3A_324 = arith.constant 0 : i32
        %dma_start3A_325 = tpu.memref_slice %arg5[%add3A_189, %dma_start3A_324] : memref<160000x128xf32, #tpu.memory_space<hbm>> -> memref<40x128xf32, #tpu.memory_space<hbm>>
        %dma_start3A_326 = arith.constant 0 : i32
        %dma_start3A_327 = tpu.memref_slice %arg5[%add3A_189, %dma_start3A_326] : memref<160000x128xf32, #tpu.memory_space<hbm>> -> memref<40x128xf32, #tpu.memory_space<hbm>>
        tpu.enqueue_dma source(%arg9 : memref<40x128xf32, #tpu.memory_space<vmem>>) target(%dma_start3A_327 : memref<40x128xf32, #tpu.memory_space<hbm>>) target_semaphore(%run_scoped3A : memref<!tpu.dma_semaphore, #tpu.memory_space<semaphore_mem>>)
        %dma_wait3A_328 = arith.constant 0 : i32
        %dma_wait3A_329 = tpu.memref_slice %arg5[%add3A_189, %dma_wait3A_328] : memref<160000x128xf32, #tpu.memory_space<hbm>> -> memref<40x128xf32, #tpu.memory_space<hbm>>
        %dma_wait3A_330 = arith.constant 0 : i32
        %dma_wait3A_331 = tpu.memref_slice %arg5[%add3A_189, %dma_wait3A_330] : memref<160000x128xf32, #tpu.memory_space<hbm>> -> memref<40x128xf32, #tpu.memory_space<hbm>>
        tpu.wait_dma2 semaphore(%run_scoped3A : memref<!tpu.dma_semaphore, #tpu.memory_space<semaphore_mem>>) src(%arg9 : memref<40x128xf32, #tpu.memory_space<vmem>>) dst(%dma_wait3A_331 : memref<40x128xf32, #tpu.memory_space<hbm>>)
        tpu.yield
      }) : () -> ()
      "tpu.region"() ({
        %run_scoped3A = tpu.sem_alloc : memref<!tpu.dma_semaphore, #tpu.memory_space<semaphore_mem>>
        %dma_start3A_324 = arith.constant 0 : i32
        %dma_start3A_325 = tpu.memref_slice %arg6[%add3A_189, %dma_start3A_324] : memref<160000x128xf32, #tpu.memory_space<hbm>> -> memref<40x128xf32, #tpu.memory_space<hbm>>
        %dma_start3A_326 = arith.constant 0 : i32
        %dma_start3A_327 = tpu.memref_slice %arg6[%add3A_189, %dma_start3A_326] : memref<160000x128xf32, #tpu.memory_space<hbm>> -> memref<40x128xf32, #tpu.memory_space<hbm>>
        tpu.enqueue_dma source(%arg15 : memref<40x128xf32, #tpu.memory_space<vmem>>) target(%dma_start3A_327 : memref<40x128xf32, #tpu.memory_space<hbm>>) target_semaphore(%run_scoped3A : memref<!tpu.dma_semaphore, #tpu.memory_space<semaphore_mem>>)
        %dma_wait3A_328 = arith.constant 0 : i32
        %dma_wait3A_329 = tpu.memref_slice %arg6[%add3A_189, %dma_wait3A_328] : memref<160000x128xf32, #tpu.memory_space<hbm>> -> memref<40x128xf32, #tpu.memory_space<hbm>>
        %dma_wait3A_330 = arith.constant 0 : i32
        %dma_wait3A_331 = tpu.memref_slice %arg6[%add3A_189, %dma_wait3A_330] : memref<160000x128xf32, #tpu.memory_space<hbm>> -> memref<40x128xf32, #tpu.memory_space<hbm>>
        tpu.wait_dma2 semaphore(%run_scoped3A : memref<!tpu.dma_semaphore, #tpu.memory_space<semaphore_mem>>) src(%arg15 : memref<40x128xf32, #tpu.memory_space<vmem>>) dst(%dma_wait3A_331 : memref<40x128xf32, #tpu.memory_space<hbm>>)
        tpu.yield
      }) : () -> ()
      %add3A_190 = arith.constant 6 : i32
      %add3A_191 = arith.addi %add3A_174, %add3A_190 : i32
      %lt3A = arith.constant 125 : i32
      %lt3A_192 = arith.cmpi slt, %add3A_191, %lt3A : i32
      %convert_element_type3A = arith.extui %lt3A_192 : i1 to i32
      %cond3A = arith.constant 0 : i32
      %cond3A_193 = arith.cmpi ne, %convert_element_type3A, %cond3A : i32
      scf.if %cond3A_193 {
        %add3A_324 = arith.constant 6 : i32
        %add3A_325 = arith.addi %add3A_174, %add3A_324 : i32
        %dma_start3A_326 = arith.constant 0 : i32
        %dma_start3A_327 = tpu.memref_slice %arg7[%add3A_325, %dma_start3A_326] : memref<125x40xi32, #tpu.memory_space<vmem>> -> memref<1x40xi32, #tpu.memory_space<vmem>>
        %dma_start3A_328 = tpu.memref_squeeze %dma_start3A_327 : memref<1x40xi32, #tpu.memory_space<vmem>> -> memref<40xi32, #tpu.memory_space<vmem>>
        %dma_start3A_329 = arith.constant 0 : i32
        %dma_start3A_330 = arith.constant 0 : i32
        %dma_start3A_331 = tpu.memref_slice %arg2[%dma_start3A_329, %dma_start3A_330] : memref<10000x128xf32, #tpu.memory_space<hbm>> -> memref<10000x128xf32, #tpu.memory_space<hbm>>
        tpu.enqueue_indirect_dma source(%dma_start3A_331 : memref<10000x128xf32, #tpu.memory_space<hbm>>) target(%arg9 : memref<40x128xf32, #tpu.memory_space<vmem>>) offsets(%dma_start3A_328 : memref<40xi32, #tpu.memory_space<vmem>>) semaphore(%arg21 : memref<!tpu.dma_semaphore, #tpu.memory_space<semaphore_mem>>)
        %dma_start3A_332 = arith.constant 0 : i32
        %dma_start3A_333 = tpu.memref_slice %arg8[%add3A_325, %dma_start3A_332] : memref<125x40xi32, #tpu.memory_space<vmem>> -> memref<1x40xi32, #tpu.memory_space<vmem>>
        %dma_start3A_334 = tpu.memref_squeeze %dma_start3A_333 : memref<1x40xi32, #tpu.memory_space<vmem>> -> memref<40xi32, #tpu.memory_space<vmem>>
        %dma_start3A_335 = arith.constant 0 : i32
        %dma_start3A_336 = arith.constant 0 : i32
        %dma_start3A_337 = tpu.memref_slice %arg2[%dma_start3A_335, %dma_start3A_336] : memref<10000x128xf32, #tpu.memory_space<hbm>> -> memref<10000x128xf32, #tpu.memory_space<hbm>>
        tpu.enqueue_indirect_dma source(%dma_start3A_337 : memref<10000x128xf32, #tpu.memory_space<hbm>>) target(%arg15 : memref<40x128xf32, #tpu.memory_space<vmem>>) offsets(%dma_start3A_334 : memref<40xi32, #tpu.memory_space<vmem>>) semaphore(%arg27 : memref<!tpu.dma_semaphore, #tpu.memory_space<semaphore_mem>>)
      } else {
      }
      %mul3A_194 = arith.constant 6 : i32
      %mul3A_195 = arith.muli %scan3A_170, %mul3A_194 : i32
      %add3A_196 = arith.constant 1 : i32
      %add3A_197 = arith.addi %mul3A_195, %add3A_196 : i32
      %dma_wait3A_198 = arith.constant 0 : i32
      %dma_wait3A_199 = tpu.memref_slice %arg7[%add3A_197, %dma_wait3A_198] : memref<125x40xi32, #tpu.memory_space<vmem>> -> memref<1x40xi32, #tpu.memory_space<vmem>>
      %dma_wait3A_200 = tpu.memref_squeeze %dma_wait3A_199 : memref<1x40xi32, #tpu.memory_space<vmem>> -> memref<40xi32, #tpu.memory_space<vmem>>
      %dma_wait3A_201 = arith.constant 0 : i32
      %dma_wait3A_202 = arith.constant 0 : i32
      %dma_wait3A_203 = tpu.memref_slice %arg2[%dma_wait3A_201, %dma_wait3A_202] : memref<10000x128xf32, #tpu.memory_space<hbm>> -> memref<10000x128xf32, #tpu.memory_space<hbm>>
      tpu.wait_indirect_dma semaphore(%arg22 : memref<!tpu.dma_semaphore, #tpu.memory_space<semaphore_mem>>) src(%dma_wait3A_203 : memref<10000x128xf32, #tpu.memory_space<hbm>>) dst(%arg10 : memref<40x128xf32, #tpu.memory_space<vmem>>)
      %dma_wait3A_204 = arith.constant 0 : i32
      %dma_wait3A_205 = tpu.memref_slice %arg8[%add3A_197, %dma_wait3A_204] : memref<125x40xi32, #tpu.memory_space<vmem>> -> memref<1x40xi32, #tpu.memory_space<vmem>>
      %dma_wait3A_206 = tpu.memref_squeeze %dma_wait3A_205 : memref<1x40xi32, #tpu.memory_space<vmem>> -> memref<40xi32, #tpu.memory_space<vmem>>
      %dma_wait3A_207 = arith.constant 0 : i32
      %dma_wait3A_208 = arith.constant 0 : i32
      %dma_wait3A_209 = tpu.memref_slice %arg2[%dma_wait3A_207, %dma_wait3A_208] : memref<10000x128xf32, #tpu.memory_space<hbm>> -> memref<10000x128xf32, #tpu.memory_space<hbm>>
      tpu.wait_indirect_dma semaphore(%arg28 : memref<!tpu.dma_semaphore, #tpu.memory_space<semaphore_mem>>) src(%dma_wait3A_209 : memref<10000x128xf32, #tpu.memory_space<hbm>>) dst(%arg16 : memref<40x128xf32, #tpu.memory_space<vmem>>)
      %mul3A_210 = arith.constant 40 : i32
      %mul3A_211 = arith.muli %add3A_197, %mul3A_210 : i32
      %add3A_212 = arith.addi %mul3A_2, %mul3A_211 : i32
      "tpu.region"() ({
        %run_scoped3A = tpu.sem_alloc : memref<!tpu.dma_semaphore, #tpu.memory_space<semaphore_mem>>
        %dma_start3A_324 = arith.constant 0 : i32
        %dma_start3A_325 = tpu.memref_slice %arg5[%add3A_212, %dma_start3A_324] : memref<160000x128xf32, #tpu.memory_space<hbm>> -> memref<40x128xf32, #tpu.memory_space<hbm>>
        %dma_start3A_326 = arith.constant 0 : i32
        %dma_start3A_327 = tpu.memref_slice %arg5[%add3A_212, %dma_start3A_326] : memref<160000x128xf32, #tpu.memory_space<hbm>> -> memref<40x128xf32, #tpu.memory_space<hbm>>
        tpu.enqueue_dma source(%arg10 : memref<40x128xf32, #tpu.memory_space<vmem>>) target(%dma_start3A_327 : memref<40x128xf32, #tpu.memory_space<hbm>>) target_semaphore(%run_scoped3A : memref<!tpu.dma_semaphore, #tpu.memory_space<semaphore_mem>>)
        %dma_wait3A_328 = arith.constant 0 : i32
        %dma_wait3A_329 = tpu.memref_slice %arg5[%add3A_212, %dma_wait3A_328] : memref<160000x128xf32, #tpu.memory_space<hbm>> -> memref<40x128xf32, #tpu.memory_space<hbm>>
        %dma_wait3A_330 = arith.constant 0 : i32
        %dma_wait3A_331 = tpu.memref_slice %arg5[%add3A_212, %dma_wait3A_330] : memref<160000x128xf32, #tpu.memory_space<hbm>> -> memref<40x128xf32, #tpu.memory_space<hbm>>
        tpu.wait_dma2 semaphore(%run_scoped3A : memref<!tpu.dma_semaphore, #tpu.memory_space<semaphore_mem>>) src(%arg10 : memref<40x128xf32, #tpu.memory_space<vmem>>) dst(%dma_wait3A_331 : memref<40x128xf32, #tpu.memory_space<hbm>>)
        tpu.yield
      }) : () -> ()
      "tpu.region"() ({
        %run_scoped3A = tpu.sem_alloc : memref<!tpu.dma_semaphore, #tpu.memory_space<semaphore_mem>>
        %dma_start3A_324 = arith.constant 0 : i32
        %dma_start3A_325 = tpu.memref_slice %arg6[%add3A_212, %dma_start3A_324] : memref<160000x128xf32, #tpu.memory_space<hbm>> -> memref<40x128xf32, #tpu.memory_space<hbm>>
        %dma_start3A_326 = arith.constant 0 : i32
        %dma_start3A_327 = tpu.memref_slice %arg6[%add3A_212, %dma_start3A_326] : memref<160000x128xf32, #tpu.memory_space<hbm>> -> memref<40x128xf32, #tpu.memory_space<hbm>>
        tpu.enqueue_dma source(%arg16 : memref<40x128xf32, #tpu.memory_space<vmem>>) target(%dma_start3A_327 : memref<40x128xf32, #tpu.memory_space<hbm>>) target_semaphore(%run_scoped3A : memref<!tpu.dma_semaphore, #tpu.memory_space<semaphore_mem>>)
        %dma_wait3A_328 = arith.constant 0 : i32
        %dma_wait3A_329 = tpu.memref_slice %arg6[%add3A_212, %dma_wait3A_328] : memref<160000x128xf32, #tpu.memory_space<hbm>> -> memref<40x128xf32, #tpu.memory_space<hbm>>
        %dma_wait3A_330 = arith.constant 0 : i32
        %dma_wait3A_331 = tpu.memref_slice %arg6[%add3A_212, %dma_wait3A_330] : memref<160000x128xf32, #tpu.memory_space<hbm>> -> memref<40x128xf32, #tpu.memory_space<hbm>>
        tpu.wait_dma2 semaphore(%run_scoped3A : memref<!tpu.dma_semaphore, #tpu.memory_space<semaphore_mem>>) src(%arg16 : memref<40x128xf32, #tpu.memory_space<vmem>>) dst(%dma_wait3A_331 : memref<40x128xf32, #tpu.memory_space<hbm>>)
        tpu.yield
      }) : () -> ()
      %add3A_213 = arith.constant 6 : i32
      %add3A_214 = arith.addi %add3A_197, %add3A_213 : i32
      %lt3A_215 = arith.constant 125 : i32
      %lt3A_216 = arith.cmpi slt, %add3A_214, %lt3A_215 : i32
      %convert_element_type3A_217 = arith.extui %lt3A_216 : i1 to i32
      %cond3A_218 = arith.constant 0 : i32
      %cond3A_219 = arith.cmpi ne, %convert_element_type3A_217, %cond3A_218 : i32
      scf.if %cond3A_219 {
        %add3A_324 = arith.constant 6 : i32
        %add3A_325 = arith.addi %add3A_197, %add3A_324 : i32
        %dma_start3A_326 = arith.constant 0 : i32
        %dma_start3A_327 = tpu.memref_slice %arg7[%add3A_325, %dma_start3A_326] : memref<125x40xi32, #tpu.memory_space<vmem>> -> memref<1x40xi32, #tpu.memory_space<vmem>>
        %dma_start3A_328 = tpu.memref_squeeze %dma_start3A_327 : memref<1x40xi32, #tpu.memory_space<vmem>> -> memref<40xi32, #tpu.memory_space<vmem>>
        %dma_start3A_329 = arith.constant 0 : i32
        %dma_start3A_330 = arith.constant 0 : i32
        %dma_start3A_331 = tpu.memref_slice %arg2[%dma_start3A_329, %dma_start3A_330] : memref<10000x128xf32, #tpu.memory_space<hbm>> -> memref<10000x128xf32, #tpu.memory_space<hbm>>
        tpu.enqueue_indirect_dma source(%dma_start3A_331 : memref<10000x128xf32, #tpu.memory_space<hbm>>) target(%arg10 : memref<40x128xf32, #tpu.memory_space<vmem>>) offsets(%dma_start3A_328 : memref<40xi32, #tpu.memory_space<vmem>>) semaphore(%arg22 : memref<!tpu.dma_semaphore, #tpu.memory_space<semaphore_mem>>)
        %dma_start3A_332 = arith.constant 0 : i32
        %dma_start3A_333 = tpu.memref_slice %arg8[%add3A_325, %dma_start3A_332] : memref<125x40xi32, #tpu.memory_space<vmem>> -> memref<1x40xi32, #tpu.memory_space<vmem>>
        %dma_start3A_334 = tpu.memref_squeeze %dma_start3A_333 : memref<1x40xi32, #tpu.memory_space<vmem>> -> memref<40xi32, #tpu.memory_space<vmem>>
        %dma_start3A_335 = arith.constant 0 : i32
        %dma_start3A_336 = arith.constant 0 : i32
        %dma_start3A_337 = tpu.memref_slice %arg2[%dma_start3A_335, %dma_start3A_336] : memref<10000x128xf32, #tpu.memory_space<hbm>> -> memref<10000x128xf32, #tpu.memory_space<hbm>>
        tpu.enqueue_indirect_dma source(%dma_start3A_337 : memref<10000x128xf32, #tpu.memory_space<hbm>>) target(%arg16 : memref<40x128xf32, #tpu.memory_space<vmem>>) offsets(%dma_start3A_334 : memref<40xi32, #tpu.memory_space<vmem>>) semaphore(%arg28 : memref<!tpu.dma_semaphore, #tpu.memory_space<semaphore_mem>>)
      } else {
      }
      %mul3A_220 = arith.constant 6 : i32
      %mul3A_221 = arith.muli %scan3A_170, %mul3A_220 : i32
      %add3A_222 = arith.constant 2 : i32
      %add3A_223 = arith.addi %mul3A_221, %add3A_222 : i32
      %dma_wait3A_224 = arith.constant 0 : i32
      %dma_wait3A_225 = tpu.memref_slice %arg7[%add3A_223, %dma_wait3A_224] : memref<125x40xi32, #tpu.memory_space<vmem>> -> memref<1x40xi32, #tpu.memory_space<vmem>>
      %dma_wait3A_226 = tpu.memref_squeeze %dma_wait3A_225 : memref<1x40xi32, #tpu.memory_space<vmem>> -> memref<40xi32, #tpu.memory_space<vmem>>
      %dma_wait3A_227 = arith.constant 0 : i32
      %dma_wait3A_228 = arith.constant 0 : i32
      %dma_wait3A_229 = tpu.memref_slice %arg2[%dma_wait3A_227, %dma_wait3A_228] : memref<10000x128xf32, #tpu.memory_space<hbm>> -> memref<10000x128xf32, #tpu.memory_space<hbm>>
      tpu.wait_indirect_dma semaphore(%arg23 : memref<!tpu.dma_semaphore, #tpu.memory_space<semaphore_mem>>) src(%dma_wait3A_229 : memref<10000x128xf32, #tpu.memory_space<hbm>>) dst(%arg11 : memref<40x128xf32, #tpu.memory_space<vmem>>)
      %dma_wait3A_230 = arith.constant 0 : i32
      %dma_wait3A_231 = tpu.memref_slice %arg8[%add3A_223, %dma_wait3A_230] : memref<125x40xi32, #tpu.memory_space<vmem>> -> memref<1x40xi32, #tpu.memory_space<vmem>>
      %dma_wait3A_232 = tpu.memref_squeeze %dma_wait3A_231 : memref<1x40xi32, #tpu.memory_space<vmem>> -> memref<40xi32, #tpu.memory_space<vmem>>
      %dma_wait3A_233 = arith.constant 0 : i32
      %dma_wait3A_234 = arith.constant 0 : i32
      %dma_wait3A_235 = tpu.memref_slice %arg2[%dma_wait3A_233, %dma_wait3A_234] : memref<10000x128xf32, #tpu.memory_space<hbm>> -> memref<10000x128xf32, #tpu.memory_space<hbm>>
      tpu.wait_indirect_dma semaphore(%arg29 : memref<!tpu.dma_semaphore, #tpu.memory_space<semaphore_mem>>) src(%dma_wait3A_235 : memref<10000x128xf32, #tpu.memory_space<hbm>>) dst(%arg17 : memref<40x128xf32, #tpu.memory_space<vmem>>)
      %mul3A_236 = arith.constant 40 : i32
      %mul3A_237 = arith.muli %add3A_223, %mul3A_236 : i32
      %add3A_238 = arith.addi %mul3A_2, %mul3A_237 : i32
      "tpu.region"() ({
        %run_scoped3A = tpu.sem_alloc : memref<!tpu.dma_semaphore, #tpu.memory_space<semaphore_mem>>
        %dma_start3A_324 = arith.constant 0 : i32
        %dma_start3A_325 = tpu.memref_slice %arg5[%add3A_238, %dma_start3A_324] : memref<160000x128xf32, #tpu.memory_space<hbm>> -> memref<40x128xf32, #tpu.memory_space<hbm>>
        %dma_start3A_326 = arith.constant 0 : i32
        %dma_start3A_327 = tpu.memref_slice %arg5[%add3A_238, %dma_start3A_326] : memref<160000x128xf32, #tpu.memory_space<hbm>> -> memref<40x128xf32, #tpu.memory_space<hbm>>
        tpu.enqueue_dma source(%arg11 : memref<40x128xf32, #tpu.memory_space<vmem>>) target(%dma_start3A_327 : memref<40x128xf32, #tpu.memory_space<hbm>>) target_semaphore(%run_scoped3A : memref<!tpu.dma_semaphore, #tpu.memory_space<semaphore_mem>>)
        %dma_wait3A_328 = arith.constant 0 : i32
        %dma_wait3A_329 = tpu.memref_slice %arg5[%add3A_238, %dma_wait3A_328] : memref<160000x128xf32, #tpu.memory_space<hbm>> -> memref<40x128xf32, #tpu.memory_space<hbm>>
        %dma_wait3A_330 = arith.constant 0 : i32
        %dma_wait3A_331 = tpu.memref_slice %arg5[%add3A_238, %dma_wait3A_330] : memref<160000x128xf32, #tpu.memory_space<hbm>> -> memref<40x128xf32, #tpu.memory_space<hbm>>
        tpu.wait_dma2 semaphore(%run_scoped3A : memref<!tpu.dma_semaphore, #tpu.memory_space<semaphore_mem>>) src(%arg11 : memref<40x128xf32, #tpu.memory_space<vmem>>) dst(%dma_wait3A_331 : memref<40x128xf32, #tpu.memory_space<hbm>>)
        tpu.yield
      }) : () -> ()
      "tpu.region"() ({
        %run_scoped3A = tpu.sem_alloc : memref<!tpu.dma_semaphore, #tpu.memory_space<semaphore_mem>>
        %dma_start3A_324 = arith.constant 0 : i32
        %dma_start3A_325 = tpu.memref_slice %arg6[%add3A_238, %dma_start3A_324] : memref<160000x128xf32, #tpu.memory_space<hbm>> -> memref<40x128xf32, #tpu.memory_space<hbm>>
        %dma_start3A_326 = arith.constant 0 : i32
        %dma_start3A_327 = tpu.memref_slice %arg6[%add3A_238, %dma_start3A_326] : memref<160000x128xf32, #tpu.memory_space<hbm>> -> memref<40x128xf32, #tpu.memory_space<hbm>>
        tpu.enqueue_dma source(%arg17 : memref<40x128xf32, #tpu.memory_space<vmem>>) target(%dma_start3A_327 : memref<40x128xf32, #tpu.memory_space<hbm>>) target_semaphore(%run_scoped3A : memref<!tpu.dma_semaphore, #tpu.memory_space<semaphore_mem>>)
        %dma_wait3A_328 = arith.constant 0 : i32
        %dma_wait3A_329 = tpu.memref_slice %arg6[%add3A_238, %dma_wait3A_328] : memref<160000x128xf32, #tpu.memory_space<hbm>> -> memref<40x128xf32, #tpu.memory_space<hbm>>
        %dma_wait3A_330 = arith.constant 0 : i32
        %dma_wait3A_331 = tpu.memref_slice %arg6[%add3A_238, %dma_wait3A_330] : memref<160000x128xf32, #tpu.memory_space<hbm>> -> memref<40x128xf32, #tpu.memory_space<hbm>>
        tpu.wait_dma2 semaphore(%run_scoped3A : memref<!tpu.dma_semaphore, #tpu.memory_space<semaphore_mem>>) src(%arg17 : memref<40x128xf32, #tpu.memory_space<vmem>>) dst(%dma_wait3A_331 : memref<40x128xf32, #tpu.memory_space<hbm>>)
        tpu.yield
      }) : () -> ()
      %add3A_239 = arith.constant 6 : i32
      %add3A_240 = arith.addi %add3A_223, %add3A_239 : i32
      %lt3A_241 = arith.constant 125 : i32
      %lt3A_242 = arith.cmpi slt, %add3A_240, %lt3A_241 : i32
      %convert_element_type3A_243 = arith.extui %lt3A_242 : i1 to i32
      %cond3A_244 = arith.constant 0 : i32
      %cond3A_245 = arith.cmpi ne, %convert_element_type3A_243, %cond3A_244 : i32
      scf.if %cond3A_245 {
        %add3A_324 = arith.constant 6 : i32
        %add3A_325 = arith.addi %add3A_223, %add3A_324 : i32
        %dma_start3A_326 = arith.constant 0 : i32
        %dma_start3A_327 = tpu.memref_slice %arg7[%add3A_325, %dma_start3A_326] : memref<125x40xi32, #tpu.memory_space<vmem>> -> memref<1x40xi32, #tpu.memory_space<vmem>>
        %dma_start3A_328 = tpu.memref_squeeze %dma_start3A_327 : memref<1x40xi32, #tpu.memory_space<vmem>> -> memref<40xi32, #tpu.memory_space<vmem>>
        %dma_start3A_329 = arith.constant 0 : i32
        %dma_start3A_330 = arith.constant 0 : i32
        %dma_start3A_331 = tpu.memref_slice %arg2[%dma_start3A_329, %dma_start3A_330] : memref<10000x128xf32, #tpu.memory_space<hbm>> -> memref<10000x128xf32, #tpu.memory_space<hbm>>
        tpu.enqueue_indirect_dma source(%dma_start3A_331 : memref<10000x128xf32, #tpu.memory_space<hbm>>) target(%arg11 : memref<40x128xf32, #tpu.memory_space<vmem>>) offsets(%dma_start3A_328 : memref<40xi32, #tpu.memory_space<vmem>>) semaphore(%arg23 : memref<!tpu.dma_semaphore, #tpu.memory_space<semaphore_mem>>)
        %dma_start3A_332 = arith.constant 0 : i32
        %dma_start3A_333 = tpu.memref_slice %arg8[%add3A_325, %dma_start3A_332] : memref<125x40xi32, #tpu.memory_space<vmem>> -> memref<1x40xi32, #tpu.memory_space<vmem>>
        %dma_start3A_334 = tpu.memref_squeeze %dma_start3A_333 : memref<1x40xi32, #tpu.memory_space<vmem>> -> memref<40xi32, #tpu.memory_space<vmem>>
        %dma_start3A_335 = arith.constant 0 : i32
        %dma_start3A_336 = arith.constant 0 : i32
        %dma_start3A_337 = tpu.memref_slice %arg2[%dma_start3A_335, %dma_start3A_336] : memref<10000x128xf32, #tpu.memory_space<hbm>> -> memref<10000x128xf32, #tpu.memory_space<hbm>>
        tpu.enqueue_indirect_dma source(%dma_start3A_337 : memref<10000x128xf32, #tpu.memory_space<hbm>>) target(%arg17 : memref<40x128xf32, #tpu.memory_space<vmem>>) offsets(%dma_start3A_334 : memref<40xi32, #tpu.memory_space<vmem>>) semaphore(%arg29 : memref<!tpu.dma_semaphore, #tpu.memory_space<semaphore_mem>>)
      } else {
      }
      %mul3A_246 = arith.constant 6 : i32
      %mul3A_247 = arith.muli %scan3A_170, %mul3A_246 : i32
      %add3A_248 = arith.constant 3 : i32
      %add3A_249 = arith.addi %mul3A_247, %add3A_248 : i32
      %dma_wait3A_250 = arith.constant 0 : i32
      %dma_wait3A_251 = tpu.memref_slice %arg7[%add3A_249, %dma_wait3A_250] : memref<125x40xi32, #tpu.memory_space<vmem>> -> memref<1x40xi32, #tpu.memory_space<vmem>>
      %dma_wait3A_252 = tpu.memref_squeeze %dma_wait3A_251 : memref<1x40xi32, #tpu.memory_space<vmem>> -> memref<40xi32, #tpu.memory_space<vmem>>
      %dma_wait3A_253 = arith.constant 0 : i32
      %dma_wait3A_254 = arith.constant 0 : i32
      %dma_wait3A_255 = tpu.memref_slice %arg2[%dma_wait3A_253, %dma_wait3A_254] : memref<10000x128xf32, #tpu.memory_space<hbm>> -> memref<10000x128xf32, #tpu.memory_space<hbm>>
      tpu.wait_indirect_dma semaphore(%arg24 : memref<!tpu.dma_semaphore, #tpu.memory_space<semaphore_mem>>) src(%dma_wait3A_255 : memref<10000x128xf32, #tpu.memory_space<hbm>>) dst(%arg12 : memref<40x128xf32, #tpu.memory_space<vmem>>)
      %dma_wait3A_256 = arith.constant 0 : i32
      %dma_wait3A_257 = tpu.memref_slice %arg8[%add3A_249, %dma_wait3A_256] : memref<125x40xi32, #tpu.memory_space<vmem>> -> memref<1x40xi32, #tpu.memory_space<vmem>>
      %dma_wait3A_258 = tpu.memref_squeeze %dma_wait3A_257 : memref<1x40xi32, #tpu.memory_space<vmem>> -> memref<40xi32, #tpu.memory_space<vmem>>
      %dma_wait3A_259 = arith.constant 0 : i32
      %dma_wait3A_260 = arith.constant 0 : i32
      %dma_wait3A_261 = tpu.memref_slice %arg2[%dma_wait3A_259, %dma_wait3A_260] : memref<10000x128xf32, #tpu.memory_space<hbm>> -> memref<10000x128xf32, #tpu.memory_space<hbm>>
      tpu.wait_indirect_dma semaphore(%arg30 : memref<!tpu.dma_semaphore, #tpu.memory_space<semaphore_mem>>) src(%dma_wait3A_261 : memref<10000x128xf32, #tpu.memory_space<hbm>>) dst(%arg18 : memref<40x128xf32, #tpu.memory_space<vmem>>)
      %mul3A_262 = arith.constant 40 : i32
      %mul3A_263 = arith.muli %add3A_249, %mul3A_262 : i32
      %add3A_264 = arith.addi %mul3A_2, %mul3A_263 : i32
      "tpu.region"() ({
        %run_scoped3A = tpu.sem_alloc : memref<!tpu.dma_semaphore, #tpu.memory_space<semaphore_mem>>
        %dma_start3A_324 = arith.constant 0 : i32
        %dma_start3A_325 = tpu.memref_slice %arg5[%add3A_264, %dma_start3A_324] : memref<160000x128xf32, #tpu.memory_space<hbm>> -> memref<40x128xf32, #tpu.memory_space<hbm>>
        %dma_start3A_326 = arith.constant 0 : i32
        %dma_start3A_327 = tpu.memref_slice %arg5[%add3A_264, %dma_start3A_326] : memref<160000x128xf32, #tpu.memory_space<hbm>> -> memref<40x128xf32, #tpu.memory_space<hbm>>
        tpu.enqueue_dma source(%arg12 : memref<40x128xf32, #tpu.memory_space<vmem>>) target(%dma_start3A_327 : memref<40x128xf32, #tpu.memory_space<hbm>>) target_semaphore(%run_scoped3A : memref<!tpu.dma_semaphore, #tpu.memory_space<semaphore_mem>>)
        %dma_wait3A_328 = arith.constant 0 : i32
        %dma_wait3A_329 = tpu.memref_slice %arg5[%add3A_264, %dma_wait3A_328] : memref<160000x128xf32, #tpu.memory_space<hbm>> -> memref<40x128xf32, #tpu.memory_space<hbm>>
        %dma_wait3A_330 = arith.constant 0 : i32
        %dma_wait3A_331 = tpu.memref_slice %arg5[%add3A_264, %dma_wait3A_330] : memref<160000x128xf32, #tpu.memory_space<hbm>> -> memref<40x128xf32, #tpu.memory_space<hbm>>
        tpu.wait_dma2 semaphore(%run_scoped3A : memref<!tpu.dma_semaphore, #tpu.memory_space<semaphore_mem>>) src(%arg12 : memref<40x128xf32, #tpu.memory_space<vmem>>) dst(%dma_wait3A_331 : memref<40x128xf32, #tpu.memory_space<hbm>>)
        tpu.yield
      }) : () -> ()
      "tpu.region"() ({
        %run_scoped3A = tpu.sem_alloc : memref<!tpu.dma_semaphore, #tpu.memory_space<semaphore_mem>>
        %dma_start3A_324 = arith.constant 0 : i32
        %dma_start3A_325 = tpu.memref_slice %arg6[%add3A_264, %dma_start3A_324] : memref<160000x128xf32, #tpu.memory_space<hbm>> -> memref<40x128xf32, #tpu.memory_space<hbm>>
        %dma_start3A_326 = arith.constant 0 : i32
        %dma_start3A_327 = tpu.memref_slice %arg6[%add3A_264, %dma_start3A_326] : memref<160000x128xf32, #tpu.memory_space<hbm>> -> memref<40x128xf32, #tpu.memory_space<hbm>>
        tpu.enqueue_dma source(%arg18 : memref<40x128xf32, #tpu.memory_space<vmem>>) target(%dma_start3A_327 : memref<40x128xf32, #tpu.memory_space<hbm>>) target_semaphore(%run_scoped3A : memref<!tpu.dma_semaphore, #tpu.memory_space<semaphore_mem>>)
        %dma_wait3A_328 = arith.constant 0 : i32
        %dma_wait3A_329 = tpu.memref_slice %arg6[%add3A_264, %dma_wait3A_328] : memref<160000x128xf32, #tpu.memory_space<hbm>> -> memref<40x128xf32, #tpu.memory_space<hbm>>
        %dma_wait3A_330 = arith.constant 0 : i32
        %dma_wait3A_331 = tpu.memref_slice %arg6[%add3A_264, %dma_wait3A_330] : memref<160000x128xf32, #tpu.memory_space<hbm>> -> memref<40x128xf32, #tpu.memory_space<hbm>>
        tpu.wait_dma2 semaphore(%run_scoped3A : memref<!tpu.dma_semaphore, #tpu.memory_space<semaphore_mem>>) src(%arg18 : memref<40x128xf32, #tpu.memory_space<vmem>>) dst(%dma_wait3A_331 : memref<40x128xf32, #tpu.memory_space<hbm>>)
        tpu.yield
      }) : () -> ()
      %add3A_265 = arith.constant 6 : i32
      %add3A_266 = arith.addi %add3A_249, %add3A_265 : i32
      %lt3A_267 = arith.constant 125 : i32
      %lt3A_268 = arith.cmpi slt, %add3A_266, %lt3A_267 : i32
      %convert_element_type3A_269 = arith.extui %lt3A_268 : i1 to i32
      %cond3A_270 = arith.constant 0 : i32
      %cond3A_271 = arith.cmpi ne, %convert_element_type3A_269, %cond3A_270 : i32
      scf.if %cond3A_271 {
        %add3A_324 = arith.constant 6 : i32
        %add3A_325 = arith.addi %add3A_249, %add3A_324 : i32
        %dma_start3A_326 = arith.constant 0 : i32
        %dma_start3A_327 = tpu.memref_slice %arg7[%add3A_325, %dma_start3A_326] : memref<125x40xi32, #tpu.memory_space<vmem>> -> memref<1x40xi32, #tpu.memory_space<vmem>>
        %dma_start3A_328 = tpu.memref_squeeze %dma_start3A_327 : memref<1x40xi32, #tpu.memory_space<vmem>> -> memref<40xi32, #tpu.memory_space<vmem>>
        %dma_start3A_329 = arith.constant 0 : i32
        %dma_start3A_330 = arith.constant 0 : i32
        %dma_start3A_331 = tpu.memref_slice %arg2[%dma_start3A_329, %dma_start3A_330] : memref<10000x128xf32, #tpu.memory_space<hbm>> -> memref<10000x128xf32, #tpu.memory_space<hbm>>
        tpu.enqueue_indirect_dma source(%dma_start3A_331 : memref<10000x128xf32, #tpu.memory_space<hbm>>) target(%arg12 : memref<40x128xf32, #tpu.memory_space<vmem>>) offsets(%dma_start3A_328 : memref<40xi32, #tpu.memory_space<vmem>>) semaphore(%arg24 : memref<!tpu.dma_semaphore, #tpu.memory_space<semaphore_mem>>)
        %dma_start3A_332 = arith.constant 0 : i32
        %dma_start3A_333 = tpu.memref_slice %arg8[%add3A_325, %dma_start3A_332] : memref<125x40xi32, #tpu.memory_space<vmem>> -> memref<1x40xi32, #tpu.memory_space<vmem>>
        %dma_start3A_334 = tpu.memref_squeeze %dma_start3A_333 : memref<1x40xi32, #tpu.memory_space<vmem>> -> memref<40xi32, #tpu.memory_space<vmem>>
        %dma_start3A_335 = arith.constant 0 : i32
        %dma_start3A_336 = arith.constant 0 : i32
        %dma_start3A_337 = tpu.memref_slice %arg2[%dma_start3A_335, %dma_start3A_336] : memref<10000x128xf32, #tpu.memory_space<hbm>> -> memref<10000x128xf32, #tpu.memory_space<hbm>>
        tpu.enqueue_indirect_dma source(%dma_start3A_337 : memref<10000x128xf32, #tpu.memory_space<hbm>>) target(%arg18 : memref<40x128xf32, #tpu.memory_space<vmem>>) offsets(%dma_start3A_334 : memref<40xi32, #tpu.memory_space<vmem>>) semaphore(%arg30 : memref<!tpu.dma_semaphore, #tpu.memory_space<semaphore_mem>>)
      } else {
      }
      %mul3A_272 = arith.constant 6 : i32
      %mul3A_273 = arith.muli %scan3A_170, %mul3A_272 : i32
      %add3A_274 = arith.constant 4 : i32
      %add3A_275 = arith.addi %mul3A_273, %add3A_274 : i32
      %dma_wait3A_276 = arith.constant 0 : i32
      %dma_wait3A_277 = tpu.memref_slice %arg7[%add3A_275, %dma_wait3A_276] : memref<125x40xi32, #tpu.memory_space<vmem>> -> memref<1x40xi32, #tpu.memory_space<vmem>>
      %dma_wait3A_278 = tpu.memref_squeeze %dma_wait3A_277 : memref<1x40xi32, #tpu.memory_space<vmem>> -> memref<40xi32, #tpu.memory_space<vmem>>
      %dma_wait3A_279 = arith.constant 0 : i32
      %dma_wait3A_280 = arith.constant 0 : i32
      %dma_wait3A_281 = tpu.memref_slice %arg2[%dma_wait3A_279, %dma_wait3A_280] : memref<10000x128xf32, #tpu.memory_space<hbm>> -> memref<10000x128xf32, #tpu.memory_space<hbm>>
      tpu.wait_indirect_dma semaphore(%arg25 : memref<!tpu.dma_semaphore, #tpu.memory_space<semaphore_mem>>) src(%dma_wait3A_281 : memref<10000x128xf32, #tpu.memory_space<hbm>>) dst(%arg13 : memref<40x128xf32, #tpu.memory_space<vmem>>)
      %dma_wait3A_282 = arith.constant 0 : i32
      %dma_wait3A_283 = tpu.memref_slice %arg8[%add3A_275, %dma_wait3A_282] : memref<125x40xi32, #tpu.memory_space<vmem>> -> memref<1x40xi32, #tpu.memory_space<vmem>>
      %dma_wait3A_284 = tpu.memref_squeeze %dma_wait3A_283 : memref<1x40xi32, #tpu.memory_space<vmem>> -> memref<40xi32, #tpu.memory_space<vmem>>
      %dma_wait3A_285 = arith.constant 0 : i32
      %dma_wait3A_286 = arith.constant 0 : i32
      %dma_wait3A_287 = tpu.memref_slice %arg2[%dma_wait3A_285, %dma_wait3A_286] : memref<10000x128xf32, #tpu.memory_space<hbm>> -> memref<10000x128xf32, #tpu.memory_space<hbm>>
      tpu.wait_indirect_dma semaphore(%arg31 : memref<!tpu.dma_semaphore, #tpu.memory_space<semaphore_mem>>) src(%dma_wait3A_287 : memref<10000x128xf32, #tpu.memory_space<hbm>>) dst(%arg19 : memref<40x128xf32, #tpu.memory_space<vmem>>)
      %mul3A_288 = arith.constant 40 : i32
      %mul3A_289 = arith.muli %add3A_275, %mul3A_288 : i32
      %add3A_290 = arith.addi %mul3A_2, %mul3A_289 : i32
      "tpu.region"() ({
        %run_scoped3A = tpu.sem_alloc : memref<!tpu.dma_semaphore, #tpu.memory_space<semaphore_mem>>
        %dma_start3A_324 = arith.constant 0 : i32
        %dma_start3A_325 = tpu.memref_slice %arg5[%add3A_290, %dma_start3A_324] : memref<160000x128xf32, #tpu.memory_space<hbm>> -> memref<40x128xf32, #tpu.memory_space<hbm>>
        %dma_start3A_326 = arith.constant 0 : i32
        %dma_start3A_327 = tpu.memref_slice %arg5[%add3A_290, %dma_start3A_326] : memref<160000x128xf32, #tpu.memory_space<hbm>> -> memref<40x128xf32, #tpu.memory_space<hbm>>
        tpu.enqueue_dma source(%arg13 : memref<40x128xf32, #tpu.memory_space<vmem>>) target(%dma_start3A_327 : memref<40x128xf32, #tpu.memory_space<hbm>>) target_semaphore(%run_scoped3A : memref<!tpu.dma_semaphore, #tpu.memory_space<semaphore_mem>>)
        %dma_wait3A_328 = arith.constant 0 : i32
        %dma_wait3A_329 = tpu.memref_slice %arg5[%add3A_290, %dma_wait3A_328] : memref<160000x128xf32, #tpu.memory_space<hbm>> -> memref<40x128xf32, #tpu.memory_space<hbm>>
        %dma_wait3A_330 = arith.constant 0 : i32
        %dma_wait3A_331 = tpu.memref_slice %arg5[%add3A_290, %dma_wait3A_330] : memref<160000x128xf32, #tpu.memory_space<hbm>> -> memref<40x128xf32, #tpu.memory_space<hbm>>
        tpu.wait_dma2 semaphore(%run_scoped3A : memref<!tpu.dma_semaphore, #tpu.memory_space<semaphore_mem>>) src(%arg13 : memref<40x128xf32, #tpu.memory_space<vmem>>) dst(%dma_wait3A_331 : memref<40x128xf32, #tpu.memory_space<hbm>>)
        tpu.yield
      }) : () -> ()
      "tpu.region"() ({
        %run_scoped3A = tpu.sem_alloc : memref<!tpu.dma_semaphore, #tpu.memory_space<semaphore_mem>>
        %dma_start3A_324 = arith.constant 0 : i32
        %dma_start3A_325 = tpu.memref_slice %arg6[%add3A_290, %dma_start3A_324] : memref<160000x128xf32, #tpu.memory_space<hbm>> -> memref<40x128xf32, #tpu.memory_space<hbm>>
        %dma_start3A_326 = arith.constant 0 : i32
        %dma_start3A_327 = tpu.memref_slice %arg6[%add3A_290, %dma_start3A_326] : memref<160000x128xf32, #tpu.memory_space<hbm>> -> memref<40x128xf32, #tpu.memory_space<hbm>>
        tpu.enqueue_dma source(%arg19 : memref<40x128xf32, #tpu.memory_space<vmem>>) target(%dma_start3A_327 : memref<40x128xf32, #tpu.memory_space<hbm>>) target_semaphore(%run_scoped3A : memref<!tpu.dma_semaphore, #tpu.memory_space<semaphore_mem>>)
        %dma_wait3A_328 = arith.constant 0 : i32
        %dma_wait3A_329 = tpu.memref_slice %arg6[%add3A_290, %dma_wait3A_328] : memref<160000x128xf32, #tpu.memory_space<hbm>> -> memref<40x128xf32, #tpu.memory_space<hbm>>
        %dma_wait3A_330 = arith.constant 0 : i32
        %dma_wait3A_331 = tpu.memref_slice %arg6[%add3A_290, %dma_wait3A_330] : memref<160000x128xf32, #tpu.memory_space<hbm>> -> memref<40x128xf32, #tpu.memory_space<hbm>>
        tpu.wait_dma2 semaphore(%run_scoped3A : memref<!tpu.dma_semaphore, #tpu.memory_space<semaphore_mem>>) src(%arg19 : memref<40x128xf32, #tpu.memory_space<vmem>>) dst(%dma_wait3A_331 : memref<40x128xf32, #tpu.memory_space<hbm>>)
        tpu.yield
      }) : () -> ()
      %add3A_291 = arith.constant 6 : i32
      %add3A_292 = arith.addi %add3A_275, %add3A_291 : i32
      %lt3A_293 = arith.constant 125 : i32
      %lt3A_294 = arith.cmpi slt, %add3A_292, %lt3A_293 : i32
      %convert_element_type3A_295 = arith.extui %lt3A_294 : i1 to i32
      %cond3A_296 = arith.constant 0 : i32
      %cond3A_297 = arith.cmpi ne, %convert_element_type3A_295, %cond3A_296 : i32
      scf.if %cond3A_297 {
        %add3A_324 = arith.constant 6 : i32
        %add3A_325 = arith.addi %add3A_275, %add3A_324 : i32
        %dma_start3A_326 = arith.constant 0 : i32
        %dma_start3A_327 = tpu.memref_slice %arg7[%add3A_325, %dma_start3A_326] : memref<125x40xi32, #tpu.memory_space<vmem>> -> memref<1x40xi32, #tpu.memory_space<vmem>>
        %dma_start3A_328 = tpu.memref_squeeze %dma_start3A_327 : memref<1x40xi32, #tpu.memory_space<vmem>> -> memref<40xi32, #tpu.memory_space<vmem>>
        %dma_start3A_329 = arith.constant 0 : i32
        %dma_start3A_330 = arith.constant 0 : i32
        %dma_start3A_331 = tpu.memref_slice %arg2[%dma_start3A_329, %dma_start3A_330] : memref<10000x128xf32, #tpu.memory_space<hbm>> -> memref<10000x128xf32, #tpu.memory_space<hbm>>
        tpu.enqueue_indirect_dma source(%dma_start3A_331 : memref<10000x128xf32, #tpu.memory_space<hbm>>) target(%arg13 : memref<40x128xf32, #tpu.memory_space<vmem>>) offsets(%dma_start3A_328 : memref<40xi32, #tpu.memory_space<vmem>>) semaphore(%arg25 : memref<!tpu.dma_semaphore, #tpu.memory_space<semaphore_mem>>)
        %dma_start3A_332 = arith.constant 0 : i32
        %dma_start3A_333 = tpu.memref_slice %arg8[%add3A_325, %dma_start3A_332] : memref<125x40xi32, #tpu.memory_space<vmem>> -> memref<1x40xi32, #tpu.memory_space<vmem>>
        %dma_start3A_334 = tpu.memref_squeeze %dma_start3A_333 : memref<1x40xi32, #tpu.memory_space<vmem>> -> memref<40xi32, #tpu.memory_space<vmem>>
        %dma_start3A_335 = arith.constant 0 : i32
        %dma_start3A_336 = arith.constant 0 : i32
        %dma_start3A_337 = tpu.memref_slice %arg2[%dma_start3A_335, %dma_start3A_336] : memref<10000x128xf32, #tpu.memory_space<hbm>> -> memref<10000x128xf32, #tpu.memory_space<hbm>>
        tpu.enqueue_indirect_dma source(%dma_start3A_337 : memref<10000x128xf32, #tpu.memory_space<hbm>>) target(%arg19 : memref<40x128xf32, #tpu.memory_space<vmem>>) offsets(%dma_start3A_334 : memref<40xi32, #tpu.memory_space<vmem>>) semaphore(%arg31 : memref<!tpu.dma_semaphore, #tpu.memory_space<semaphore_mem>>)
      } else {
      }
      %mul3A_298 = arith.constant 6 : i32
      %mul3A_299 = arith.muli %scan3A_170, %mul3A_298 : i32
      %add3A_300 = arith.constant 5 : i32
      %add3A_301 = arith.addi %mul3A_299, %add3A_300 : i32
      %dma_wait3A_302 = arith.constant 0 : i32
      %dma_wait3A_303 = tpu.memref_slice %arg7[%add3A_301, %dma_wait3A_302] : memref<125x40xi32, #tpu.memory_space<vmem>> -> memref<1x40xi32, #tpu.memory_space<vmem>>
      %dma_wait3A_304 = tpu.memref_squeeze %dma_wait3A_303 : memref<1x40xi32, #tpu.memory_space<vmem>> -> memref<40xi32, #tpu.memory_space<vmem>>
      %dma_wait3A_305 = arith.constant 0 : i32
      %dma_wait3A_306 = arith.constant 0 : i32
      %dma_wait3A_307 = tpu.memref_slice %arg2[%dma_wait3A_305, %dma_wait3A_306] : memref<10000x128xf32, #tpu.memory_space<hbm>> -> memref<10000x128xf32, #tpu.memory_space<hbm>>
      tpu.wait_indirect_dma semaphore(%arg26 : memref<!tpu.dma_semaphore, #tpu.memory_space<semaphore_mem>>) src(%dma_wait3A_307 : memref<10000x128xf32, #tpu.memory_space<hbm>>) dst(%arg14 : memref<40x128xf32, #tpu.memory_space<vmem>>)
      %dma_wait3A_308 = arith.constant 0 : i32
      %dma_wait3A_309 = tpu.memref_slice %arg8[%add3A_301, %dma_wait3A_308] : memref<125x40xi32, #tpu.memory_space<vmem>> -> memref<1x40xi32, #tpu.memory_space<vmem>>
      %dma_wait3A_310 = tpu.memref_squeeze %dma_wait3A_309 : memref<1x40xi32, #tpu.memory_space<vmem>> -> memref<40xi32, #tpu.memory_space<vmem>>
      %dma_wait3A_311 = arith.constant 0 : i32
      %dma_wait3A_312 = arith.constant 0 : i32
      %dma_wait3A_313 = tpu.memref_slice %arg2[%dma_wait3A_311, %dma_wait3A_312] : memref<10000x128xf32, #tpu.memory_space<hbm>> -> memref<10000x128xf32, #tpu.memory_space<hbm>>
      tpu.wait_indirect_dma semaphore(%arg32 : memref<!tpu.dma_semaphore, #tpu.memory_space<semaphore_mem>>) src(%dma_wait3A_313 : memref<10000x128xf32, #tpu.memory_space<hbm>>) dst(%arg20 : memref<40x128xf32, #tpu.memory_space<vmem>>)
      %mul3A_314 = arith.constant 40 : i32
      %mul3A_315 = arith.muli %add3A_301, %mul3A_314 : i32
      %add3A_316 = arith.addi %mul3A_2, %mul3A_315 : i32
      "tpu.region"() ({
        %run_scoped3A = tpu.sem_alloc : memref<!tpu.dma_semaphore, #tpu.memory_space<semaphore_mem>>
        %dma_start3A_324 = arith.constant 0 : i32
        %dma_start3A_325 = tpu.memref_slice %arg5[%add3A_316, %dma_start3A_324] : memref<160000x128xf32, #tpu.memory_space<hbm>> -> memref<40x128xf32, #tpu.memory_space<hbm>>
        %dma_start3A_326 = arith.constant 0 : i32
        %dma_start3A_327 = tpu.memref_slice %arg5[%add3A_316, %dma_start3A_326] : memref<160000x128xf32, #tpu.memory_space<hbm>> -> memref<40x128xf32, #tpu.memory_space<hbm>>
        tpu.enqueue_dma source(%arg14 : memref<40x128xf32, #tpu.memory_space<vmem>>) target(%dma_start3A_327 : memref<40x128xf32, #tpu.memory_space<hbm>>) target_semaphore(%run_scoped3A : memref<!tpu.dma_semaphore, #tpu.memory_space<semaphore_mem>>)
        %dma_wait3A_328 = arith.constant 0 : i32
        %dma_wait3A_329 = tpu.memref_slice %arg5[%add3A_316, %dma_wait3A_328] : memref<160000x128xf32, #tpu.memory_space<hbm>> -> memref<40x128xf32, #tpu.memory_space<hbm>>
        %dma_wait3A_330 = arith.constant 0 : i32
        %dma_wait3A_331 = tpu.memref_slice %arg5[%add3A_316, %dma_wait3A_330] : memref<160000x128xf32, #tpu.memory_space<hbm>> -> memref<40x128xf32, #tpu.memory_space<hbm>>
        tpu.wait_dma2 semaphore(%run_scoped3A : memref<!tpu.dma_semaphore, #tpu.memory_space<semaphore_mem>>) src(%arg14 : memref<40x128xf32, #tpu.memory_space<vmem>>) dst(%dma_wait3A_331 : memref<40x128xf32, #tpu.memory_space<hbm>>)
        tpu.yield
      }) : () -> ()
      "tpu.region"() ({
        %run_scoped3A = tpu.sem_alloc : memref<!tpu.dma_semaphore, #tpu.memory_space<semaphore_mem>>
        %dma_start3A_324 = arith.constant 0 : i32
        %dma_start3A_325 = tpu.memref_slice %arg6[%add3A_316, %dma_start3A_324] : memref<160000x128xf32, #tpu.memory_space<hbm>> -> memref<40x128xf32, #tpu.memory_space<hbm>>
        %dma_start3A_326 = arith.constant 0 : i32
        %dma_start3A_327 = tpu.memref_slice %arg6[%add3A_316, %dma_start3A_326] : memref<160000x128xf32, #tpu.memory_space<hbm>> -> memref<40x128xf32, #tpu.memory_space<hbm>>
        tpu.enqueue_dma source(%arg20 : memref<40x128xf32, #tpu.memory_space<vmem>>) target(%dma_start3A_327 : memref<40x128xf32, #tpu.memory_space<hbm>>) target_semaphore(%run_scoped3A : memref<!tpu.dma_semaphore, #tpu.memory_space<semaphore_mem>>)
        %dma_wait3A_328 = arith.constant 0 : i32
        %dma_wait3A_329 = tpu.memref_slice %arg6[%add3A_316, %dma_wait3A_328] : memref<160000x128xf32, #tpu.memory_space<hbm>> -> memref<40x128xf32, #tpu.memory_space<hbm>>
        %dma_wait3A_330 = arith.constant 0 : i32
        %dma_wait3A_331 = tpu.memref_slice %arg6[%add3A_316, %dma_wait3A_330] : memref<160000x128xf32, #tpu.memory_space<hbm>> -> memref<40x128xf32, #tpu.memory_space<hbm>>
        tpu.wait_dma2 semaphore(%run_scoped3A : memref<!tpu.dma_semaphore, #tpu.memory_space<semaphore_mem>>) src(%arg20 : memref<40x128xf32, #tpu.memory_space<vmem>>) dst(%dma_wait3A_331 : memref<40x128xf32, #tpu.memory_space<hbm>>)
        tpu.yield
      }) : () -> ()
      %add3A_317 = arith.constant 6 : i32
      %add3A_318 = arith.addi %add3A_301, %add3A_317 : i32
      %lt3A_319 = arith.constant 125 : i32
      %lt3A_320 = arith.cmpi slt, %add3A_318, %lt3A_319 : i32
      %convert_element_type3A_321 = arith.extui %lt3A_320 : i1 to i32
      %cond3A_322 = arith.constant 0 : i32
      %cond3A_323 = arith.cmpi ne, %convert_element_type3A_321, %cond3A_322 : i32
      scf.if %cond3A_323 {
        %add3A_324 = arith.constant 6 : i32
        %add3A_325 = arith.addi %add3A_301, %add3A_324 : i32
        %dma_start3A_326 = arith.constant 0 : i32
        %dma_start3A_327 = tpu.memref_slice %arg7[%add3A_325, %dma_start3A_326] : memref<125x40xi32, #tpu.memory_space<vmem>> -> memref<1x40xi32, #tpu.memory_space<vmem>>
        %dma_start3A_328 = tpu.memref_squeeze %dma_start3A_327 : memref<1x40xi32, #tpu.memory_space<vmem>> -> memref<40xi32, #tpu.memory_space<vmem>>
        %dma_start3A_329 = arith.constant 0 : i32
        %dma_start3A_330 = arith.constant 0 : i32
        %dma_start3A_331 = tpu.memref_slice %arg2[%dma_start3A_329, %dma_start3A_330] : memref<10000x128xf32, #tpu.memory_space<hbm>> -> memref<10000x128xf32, #tpu.memory_space<hbm>>
        tpu.enqueue_indirect_dma source(%dma_start3A_331 : memref<10000x128xf32, #tpu.memory_space<hbm>>) target(%arg14 : memref<40x128xf32, #tpu.memory_space<vmem>>) offsets(%dma_start3A_328 : memref<40xi32, #tpu.memory_space<vmem>>) semaphore(%arg26 : memref<!tpu.dma_semaphore, #tpu.memory_space<semaphore_mem>>)
        %dma_start3A_332 = arith.constant 0 : i32
        %dma_start3A_333 = tpu.memref_slice %arg8[%add3A_325, %dma_start3A_332] : memref<125x40xi32, #tpu.memory_space<vmem>> -> memref<1x40xi32, #tpu.memory_space<vmem>>
        %dma_start3A_334 = tpu.memref_squeeze %dma_start3A_333 : memref<1x40xi32, #tpu.memory_space<vmem>> -> memref<40xi32, #tpu.memory_space<vmem>>
        %dma_start3A_335 = arith.constant 0 : i32
        %dma_start3A_336 = arith.constant 0 : i32
        %dma_start3A_337 = tpu.memref_slice %arg2[%dma_start3A_335, %dma_start3A_336] : memref<10000x128xf32, #tpu.memory_space<hbm>> -> memref<10000x128xf32, #tpu.memory_space<hbm>>
        tpu.enqueue_indirect_dma source(%dma_start3A_337 : memref<10000x128xf32, #tpu.memory_space<hbm>>) target(%arg20 : memref<40x128xf32, #tpu.memory_space<vmem>>) offsets(%dma_start3A_334 : memref<40xi32, #tpu.memory_space<vmem>>) semaphore(%arg32 : memref<!tpu.dma_semaphore, #tpu.memory_space<semaphore_mem>>)
      } else {
      }
    }
    %scan3A_90 = arith.constant 20 : i32
    %dma_wait3A = arith.constant 120 : i32
    %dma_wait3A_91 = arith.constant 0 : i32
    %dma_wait3A_92 = tpu.memref_slice %arg7[%dma_wait3A, %dma_wait3A_91] : memref<125x40xi32, #tpu.memory_space<vmem>> -> memref<1x40xi32, #tpu.memory_space<vmem>>
    %dma_wait3A_93 = tpu.memref_squeeze %dma_wait3A_92 : memref<1x40xi32, #tpu.memory_space<vmem>> -> memref<40xi32, #tpu.memory_space<vmem>>
    %dma_wait3A_94 = arith.constant 0 : i32
    %dma_wait3A_95 = arith.constant 0 : i32
    %dma_wait3A_96 = tpu.memref_slice %arg2[%dma_wait3A_94, %dma_wait3A_95] : memref<10000x128xf32, #tpu.memory_space<hbm>> -> memref<10000x128xf32, #tpu.memory_space<hbm>>
    tpu.wait_indirect_dma semaphore(%arg21 : memref<!tpu.dma_semaphore, #tpu.memory_space<semaphore_mem>>) src(%dma_wait3A_96 : memref<10000x128xf32, #tpu.memory_space<hbm>>) dst(%arg9 : memref<40x128xf32, #tpu.memory_space<vmem>>)
    %dma_wait3A_97 = arith.constant 120 : i32
    %dma_wait3A_98 = arith.constant 0 : i32
    %dma_wait3A_99 = tpu.memref_slice %arg8[%dma_wait3A_97, %dma_wait3A_98] : memref<125x40xi32, #tpu.memory_space<vmem>> -> memref<1x40xi32, #tpu.memory_space<vmem>>
    %dma_wait3A_100 = tpu.memref_squeeze %dma_wait3A_99 : memref<1x40xi32, #tpu.memory_space<vmem>> -> memref<40xi32, #tpu.memory_space<vmem>>
    %dma_wait3A_101 = arith.constant 0 : i32
    %dma_wait3A_102 = arith.constant 0 : i32
    %dma_wait3A_103 = tpu.memref_slice %arg2[%dma_wait3A_101, %dma_wait3A_102] : memref<10000x128xf32, #tpu.memory_space<hbm>> -> memref<10000x128xf32, #tpu.memory_space<hbm>>
    tpu.wait_indirect_dma semaphore(%arg27 : memref<!tpu.dma_semaphore, #tpu.memory_space<semaphore_mem>>) src(%dma_wait3A_103 : memref<10000x128xf32, #tpu.memory_space<hbm>>) dst(%arg15 : memref<40x128xf32, #tpu.memory_space<vmem>>)
    %add3A_104 = arith.constant 4800 : i32
    %add3A_105 = arith.addi %mul3A_2, %add3A_104 : i32
    "tpu.region"() ({
      %run_scoped3A = tpu.sem_alloc : memref<!tpu.dma_semaphore, #tpu.memory_space<semaphore_mem>>
      %dma_start3A_170 = arith.constant 0 : i32
      %dma_start3A_171 = tpu.memref_slice %arg5[%add3A_105, %dma_start3A_170] : memref<160000x128xf32, #tpu.memory_space<hbm>> -> memref<40x128xf32, #tpu.memory_space<hbm>>
      %dma_start3A_172 = arith.constant 0 : i32
      %dma_start3A_173 = tpu.memref_slice %arg5[%add3A_105, %dma_start3A_172] : memref<160000x128xf32, #tpu.memory_space<hbm>> -> memref<40x128xf32, #tpu.memory_space<hbm>>
      tpu.enqueue_dma source(%arg9 : memref<40x128xf32, #tpu.memory_space<vmem>>) target(%dma_start3A_173 : memref<40x128xf32, #tpu.memory_space<hbm>>) target_semaphore(%run_scoped3A : memref<!tpu.dma_semaphore, #tpu.memory_space<semaphore_mem>>)
      %dma_wait3A_174 = arith.constant 0 : i32
      %dma_wait3A_175 = tpu.memref_slice %arg5[%add3A_105, %dma_wait3A_174] : memref<160000x128xf32, #tpu.memory_space<hbm>> -> memref<40x128xf32, #tpu.memory_space<hbm>>
      %dma_wait3A_176 = arith.constant 0 : i32
      %dma_wait3A_177 = tpu.memref_slice %arg5[%add3A_105, %dma_wait3A_176] : memref<160000x128xf32, #tpu.memory_space<hbm>> -> memref<40x128xf32, #tpu.memory_space<hbm>>
      tpu.wait_dma2 semaphore(%run_scoped3A : memref<!tpu.dma_semaphore, #tpu.memory_space<semaphore_mem>>) src(%arg9 : memref<40x128xf32, #tpu.memory_space<vmem>>) dst(%dma_wait3A_177 : memref<40x128xf32, #tpu.memory_space<hbm>>)
      tpu.yield
    }) : () -> ()
    "tpu.region"() ({
      %run_scoped3A = tpu.sem_alloc : memref<!tpu.dma_semaphore, #tpu.memory_space<semaphore_mem>>
      %dma_start3A_170 = arith.constant 0 : i32
      %dma_start3A_171 = tpu.memref_slice %arg6[%add3A_105, %dma_start3A_170] : memref<160000x128xf32, #tpu.memory_space<hbm>> -> memref<40x128xf32, #tpu.memory_space<hbm>>
      %dma_start3A_172 = arith.constant 0 : i32
      %dma_start3A_173 = tpu.memref_slice %arg6[%add3A_105, %dma_start3A_172] : memref<160000x128xf32, #tpu.memory_space<hbm>> -> memref<40x128xf32, #tpu.memory_space<hbm>>
      tpu.enqueue_dma source(%arg15 : memref<40x128xf32, #tpu.memory_space<vmem>>) target(%dma_start3A_173 : memref<40x128xf32, #tpu.memory_space<hbm>>) target_semaphore(%run_scoped3A : memref<!tpu.dma_semaphore, #tpu.memory_space<semaphore_mem>>)
      %dma_wait3A_174 = arith.constant 0 : i32
      %dma_wait3A_175 = tpu.memref_slice %arg6[%add3A_105, %dma_wait3A_174] : memref<160000x128xf32, #tpu.memory_space<hbm>> -> memref<40x128xf32, #tpu.memory_space<hbm>>
      %dma_wait3A_176 = arith.constant 0 : i32
      %dma_wait3A_177 = tpu.memref_slice %arg6[%add3A_105, %dma_wait3A_176] : memref<160000x128xf32, #tpu.memory_space<hbm>> -> memref<40x128xf32, #tpu.memory_space<hbm>>
      tpu.wait_dma2 semaphore(%run_scoped3A : memref<!tpu.dma_semaphore, #tpu.memory_space<semaphore_mem>>) src(%arg15 : memref<40x128xf32, #tpu.memory_space<vmem>>) dst(%dma_wait3A_177 : memref<40x128xf32, #tpu.memory_space<hbm>>)
      tpu.yield
    }) : () -> ()
    %dma_wait3A_106 = arith.constant 121 : i32
    %dma_wait3A_107 = arith.constant 0 : i32
    %dma_wait3A_108 = tpu.memref_slice %arg7[%dma_wait3A_106, %dma_wait3A_107] : memref<125x40xi32, #tpu.memory_space<vmem>> -> memref<1x40xi32, #tpu.memory_space<vmem>>
    %dma_wait3A_109 = tpu.memref_squeeze %dma_wait3A_108 : memref<1x40xi32, #tpu.memory_space<vmem>> -> memref<40xi32, #tpu.memory_space<vmem>>
    %dma_wait3A_110 = arith.constant 0 : i32
    %dma_wait3A_111 = arith.constant 0 : i32
    %dma_wait3A_112 = tpu.memref_slice %arg2[%dma_wait3A_110, %dma_wait3A_111] : memref<10000x128xf32, #tpu.memory_space<hbm>> -> memref<10000x128xf32, #tpu.memory_space<hbm>>
    tpu.wait_indirect_dma semaphore(%arg22 : memref<!tpu.dma_semaphore, #tpu.memory_space<semaphore_mem>>) src(%dma_wait3A_112 : memref<10000x128xf32, #tpu.memory_space<hbm>>) dst(%arg10 : memref<40x128xf32, #tpu.memory_space<vmem>>)
    %dma_wait3A_113 = arith.constant 121 : i32
    %dma_wait3A_114 = arith.constant 0 : i32
    %dma_wait3A_115 = tpu.memref_slice %arg8[%dma_wait3A_113, %dma_wait3A_114] : memref<125x40xi32, #tpu.memory_space<vmem>> -> memref<1x40xi32, #tpu.memory_space<vmem>>
    %dma_wait3A_116 = tpu.memref_squeeze %dma_wait3A_115 : memref<1x40xi32, #tpu.memory_space<vmem>> -> memref<40xi32, #tpu.memory_space<vmem>>
    %dma_wait3A_117 = arith.constant 0 : i32
    %dma_wait3A_118 = arith.constant 0 : i32
    %dma_wait3A_119 = tpu.memref_slice %arg2[%dma_wait3A_117, %dma_wait3A_118] : memref<10000x128xf32, #tpu.memory_space<hbm>> -> memref<10000x128xf32, #tpu.memory_space<hbm>>
    tpu.wait_indirect_dma semaphore(%arg28 : memref<!tpu.dma_semaphore, #tpu.memory_space<semaphore_mem>>) src(%dma_wait3A_119 : memref<10000x128xf32, #tpu.memory_space<hbm>>) dst(%arg16 : memref<40x128xf32, #tpu.memory_space<vmem>>)
    %add3A_120 = arith.constant 4840 : i32
    %add3A_121 = arith.addi %mul3A_2, %add3A_120 : i32
    "tpu.region"() ({
      %run_scoped3A = tpu.sem_alloc : memref<!tpu.dma_semaphore, #tpu.memory_space<semaphore_mem>>
      %dma_start3A_170 = arith.constant 0 : i32
      %dma_start3A_171 = tpu.memref_slice %arg5[%add3A_121, %dma_start3A_170] : memref<160000x128xf32, #tpu.memory_space<hbm>> -> memref<40x128xf32, #tpu.memory_space<hbm>>
      %dma_start3A_172 = arith.constant 0 : i32
      %dma_start3A_173 = tpu.memref_slice %arg5[%add3A_121, %dma_start3A_172] : memref<160000x128xf32, #tpu.memory_space<hbm>> -> memref<40x128xf32, #tpu.memory_space<hbm>>
      tpu.enqueue_dma source(%arg10 : memref<40x128xf32, #tpu.memory_space<vmem>>) target(%dma_start3A_173 : memref<40x128xf32, #tpu.memory_space<hbm>>) target_semaphore(%run_scoped3A : memref<!tpu.dma_semaphore, #tpu.memory_space<semaphore_mem>>)
      %dma_wait3A_174 = arith.constant 0 : i32
      %dma_wait3A_175 = tpu.memref_slice %arg5[%add3A_121, %dma_wait3A_174] : memref<160000x128xf32, #tpu.memory_space<hbm>> -> memref<40x128xf32, #tpu.memory_space<hbm>>
      %dma_wait3A_176 = arith.constant 0 : i32
      %dma_wait3A_177 = tpu.memref_slice %arg5[%add3A_121, %dma_wait3A_176] : memref<160000x128xf32, #tpu.memory_space<hbm>> -> memref<40x128xf32, #tpu.memory_space<hbm>>
      tpu.wait_dma2 semaphore(%run_scoped3A : memref<!tpu.dma_semaphore, #tpu.memory_space<semaphore_mem>>) src(%arg10 : memref<40x128xf32, #tpu.memory_space<vmem>>) dst(%dma_wait3A_177 : memref<40x128xf32, #tpu.memory_space<hbm>>)
      tpu.yield
    }) : () -> ()
    "tpu.region"() ({
      %run_scoped3A = tpu.sem_alloc : memref<!tpu.dma_semaphore, #tpu.memory_space<semaphore_mem>>
      %dma_start3A_170 = arith.constant 0 : i32
      %dma_start3A_171 = tpu.memref_slice %arg6[%add3A_121, %dma_start3A_170] : memref<160000x128xf32, #tpu.memory_space<hbm>> -> memref<40x128xf32, #tpu.memory_space<hbm>>
      %dma_start3A_172 = arith.constant 0 : i32
      %dma_start3A_173 = tpu.memref_slice %arg6[%add3A_121, %dma_start3A_172] : memref<160000x128xf32, #tpu.memory_space<hbm>> -> memref<40x128xf32, #tpu.memory_space<hbm>>
      tpu.enqueue_dma source(%arg16 : memref<40x128xf32, #tpu.memory_space<vmem>>) target(%dma_start3A_173 : memref<40x128xf32, #tpu.memory_space<hbm>>) target_semaphore(%run_scoped3A : memref<!tpu.dma_semaphore, #tpu.memory_space<semaphore_mem>>)
      %dma_wait3A_174 = arith.constant 0 : i32
      %dma_wait3A_175 = tpu.memref_slice %arg6[%add3A_121, %dma_wait3A_174] : memref<160000x128xf32, #tpu.memory_space<hbm>> -> memref<40x128xf32, #tpu.memory_space<hbm>>
      %dma_wait3A_176 = arith.constant 0 : i32
      %dma_wait3A_177 = tpu.memref_slice %arg6[%add3A_121, %dma_wait3A_176] : memref<160000x128xf32, #tpu.memory_space<hbm>> -> memref<40x128xf32, #tpu.memory_space<hbm>>
      tpu.wait_dma2 semaphore(%run_scoped3A : memref<!tpu.dma_semaphore, #tpu.memory_space<semaphore_mem>>) src(%arg16 : memref<40x128xf32, #tpu.memory_space<vmem>>) dst(%dma_wait3A_177 : memref<40x128xf32, #tpu.memory_space<hbm>>)
      tpu.yield
    }) : () -> ()
    %dma_wait3A_122 = arith.constant 122 : i32
    %dma_wait3A_123 = arith.constant 0 : i32
    %dma_wait3A_124 = tpu.memref_slice %arg7[%dma_wait3A_122, %dma_wait3A_123] : memref<125x40xi32, #tpu.memory_space<vmem>> -> memref<1x40xi32, #tpu.memory_space<vmem>>
    %dma_wait3A_125 = tpu.memref_squeeze %dma_wait3A_124 : memref<1x40xi32, #tpu.memory_space<vmem>> -> memref<40xi32, #tpu.memory_space<vmem>>
    %dma_wait3A_126 = arith.constant 0 : i32
    %dma_wait3A_127 = arith.constant 0 : i32
    %dma_wait3A_128 = tpu.memref_slice %arg2[%dma_wait3A_126, %dma_wait3A_127] : memref<10000x128xf32, #tpu.memory_space<hbm>> -> memref<10000x128xf32, #tpu.memory_space<hbm>>
    tpu.wait_indirect_dma semaphore(%arg23 : memref<!tpu.dma_semaphore, #tpu.memory_space<semaphore_mem>>) src(%dma_wait3A_128 : memref<10000x128xf32, #tpu.memory_space<hbm>>) dst(%arg11 : memref<40x128xf32, #tpu.memory_space<vmem>>)
    %dma_wait3A_129 = arith.constant 122 : i32
    %dma_wait3A_130 = arith.constant 0 : i32
    %dma_wait3A_131 = tpu.memref_slice %arg8[%dma_wait3A_129, %dma_wait3A_130] : memref<125x40xi32, #tpu.memory_space<vmem>> -> memref<1x40xi32, #tpu.memory_space<vmem>>
    %dma_wait3A_132 = tpu.memref_squeeze %dma_wait3A_131 : memref<1x40xi32, #tpu.memory_space<vmem>> -> memref<40xi32, #tpu.memory_space<vmem>>
    %dma_wait3A_133 = arith.constant 0 : i32
    %dma_wait3A_134 = arith.constant 0 : i32
    %dma_wait3A_135 = tpu.memref_slice %arg2[%dma_wait3A_133, %dma_wait3A_134] : memref<10000x128xf32, #tpu.memory_space<hbm>> -> memref<10000x128xf32, #tpu.memory_space<hbm>>
    tpu.wait_indirect_dma semaphore(%arg29 : memref<!tpu.dma_semaphore, #tpu.memory_space<semaphore_mem>>) src(%dma_wait3A_135 : memref<10000x128xf32, #tpu.memory_space<hbm>>) dst(%arg17 : memref<40x128xf32, #tpu.memory_space<vmem>>)
    %add3A_136 = arith.constant 4880 : i32
    %add3A_137 = arith.addi %mul3A_2, %add3A_136 : i32
    "tpu.region"() ({
      %run_scoped3A = tpu.sem_alloc : memref<!tpu.dma_semaphore, #tpu.memory_space<semaphore_mem>>
      %dma_start3A_170 = arith.constant 0 : i32
      %dma_start3A_171 = tpu.memref_slice %arg5[%add3A_137, %dma_start3A_170] : memref<160000x128xf32, #tpu.memory_space<hbm>> -> memref<40x128xf32, #tpu.memory_space<hbm>>
      %dma_start3A_172 = arith.constant 0 : i32
      %dma_start3A_173 = tpu.memref_slice %arg5[%add3A_137, %dma_start3A_172] : memref<160000x128xf32, #tpu.memory_space<hbm>> -> memref<40x128xf32, #tpu.memory_space<hbm>>
      tpu.enqueue_dma source(%arg11 : memref<40x128xf32, #tpu.memory_space<vmem>>) target(%dma_start3A_173 : memref<40x128xf32, #tpu.memory_space<hbm>>) target_semaphore(%run_scoped3A : memref<!tpu.dma_semaphore, #tpu.memory_space<semaphore_mem>>)
      %dma_wait3A_174 = arith.constant 0 : i32
      %dma_wait3A_175 = tpu.memref_slice %arg5[%add3A_137, %dma_wait3A_174] : memref<160000x128xf32, #tpu.memory_space<hbm>> -> memref<40x128xf32, #tpu.memory_space<hbm>>
      %dma_wait3A_176 = arith.constant 0 : i32
      %dma_wait3A_177 = tpu.memref_slice %arg5[%add3A_137, %dma_wait3A_176] : memref<160000x128xf32, #tpu.memory_space<hbm>> -> memref<40x128xf32, #tpu.memory_space<hbm>>
      tpu.wait_dma2 semaphore(%run_scoped3A : memref<!tpu.dma_semaphore, #tpu.memory_space<semaphore_mem>>) src(%arg11 : memref<40x128xf32, #tpu.memory_space<vmem>>) dst(%dma_wait3A_177 : memref<40x128xf32, #tpu.memory_space<hbm>>)
      tpu.yield
    }) : () -> ()
    "tpu.region"() ({
      %run_scoped3A = tpu.sem_alloc : memref<!tpu.dma_semaphore, #tpu.memory_space<semaphore_mem>>
      %dma_start3A_170 = arith.constant 0 : i32
      %dma_start3A_171 = tpu.memref_slice %arg6[%add3A_137, %dma_start3A_170] : memref<160000x128xf32, #tpu.memory_space<hbm>> -> memref<40x128xf32, #tpu.memory_space<hbm>>
      %dma_start3A_172 = arith.constant 0 : i32
      %dma_start3A_173 = tpu.memref_slice %arg6[%add3A_137, %dma_start3A_172] : memref<160000x128xf32, #tpu.memory_space<hbm>> -> memref<40x128xf32, #tpu.memory_space<hbm>>
      tpu.enqueue_dma source(%arg17 : memref<40x128xf32, #tpu.memory_space<vmem>>) target(%dma_start3A_173 : memref<40x128xf32, #tpu.memory_space<hbm>>) target_semaphore(%run_scoped3A : memref<!tpu.dma_semaphore, #tpu.memory_space<semaphore_mem>>)
      %dma_wait3A_174 = arith.constant 0 : i32
      %dma_wait3A_175 = tpu.memref_slice %arg6[%add3A_137, %dma_wait3A_174] : memref<160000x128xf32, #tpu.memory_space<hbm>> -> memref<40x128xf32, #tpu.memory_space<hbm>>
      %dma_wait3A_176 = arith.constant 0 : i32
      %dma_wait3A_177 = tpu.memref_slice %arg6[%add3A_137, %dma_wait3A_176] : memref<160000x128xf32, #tpu.memory_space<hbm>> -> memref<40x128xf32, #tpu.memory_space<hbm>>
      tpu.wait_dma2 semaphore(%run_scoped3A : memref<!tpu.dma_semaphore, #tpu.memory_space<semaphore_mem>>) src(%arg17 : memref<40x128xf32, #tpu.memory_space<vmem>>) dst(%dma_wait3A_177 : memref<40x128xf32, #tpu.memory_space<hbm>>)
      tpu.yield
    }) : () -> ()
    %dma_wait3A_138 = arith.constant 123 : i32
    %dma_wait3A_139 = arith.constant 0 : i32
    %dma_wait3A_140 = tpu.memref_slice %arg7[%dma_wait3A_138, %dma_wait3A_139] : memref<125x40xi32, #tpu.memory_space<vmem>> -> memref<1x40xi32, #tpu.memory_space<vmem>>
    %dma_wait3A_141 = tpu.memref_squeeze %dma_wait3A_140 : memref<1x40xi32, #tpu.memory_space<vmem>> -> memref<40xi32, #tpu.memory_space<vmem>>
    %dma_wait3A_142 = arith.constant 0 : i32
    %dma_wait3A_143 = arith.constant 0 : i32
    %dma_wait3A_144 = tpu.memref_slice %arg2[%dma_wait3A_142, %dma_wait3A_143] : memref<10000x128xf32, #tpu.memory_space<hbm>> -> memref<10000x128xf32, #tpu.memory_space<hbm>>
    tpu.wait_indirect_dma semaphore(%arg24 : memref<!tpu.dma_semaphore, #tpu.memory_space<semaphore_mem>>) src(%dma_wait3A_144 : memref<10000x128xf32, #tpu.memory_space<hbm>>) dst(%arg12 : memref<40x128xf32, #tpu.memory_space<vmem>>)
    %dma_wait3A_145 = arith.constant 123 : i32
    %dma_wait3A_146 = arith.constant 0 : i32
    %dma_wait3A_147 = tpu.memref_slice %arg8[%dma_wait3A_145, %dma_wait3A_146] : memref<125x40xi32, #tpu.memory_space<vmem>> -> memref<1x40xi32, #tpu.memory_space<vmem>>
    %dma_wait3A_148 = tpu.memref_squeeze %dma_wait3A_147 : memref<1x40xi32, #tpu.memory_space<vmem>> -> memref<40xi32, #tpu.memory_space<vmem>>
    %dma_wait3A_149 = arith.constant 0 : i32
    %dma_wait3A_150 = arith.constant 0 : i32
    %dma_wait3A_151 = tpu.memref_slice %arg2[%dma_wait3A_149, %dma_wait3A_150] : memref<10000x128xf32, #tpu.memory_space<hbm>> -> memref<10000x128xf32, #tpu.memory_space<hbm>>
    tpu.wait_indirect_dma semaphore(%arg30 : memref<!tpu.dma_semaphore, #tpu.memory_space<semaphore_mem>>) src(%dma_wait3A_151 : memref<10000x128xf32, #tpu.memory_space<hbm>>) dst(%arg18 : memref<40x128xf32, #tpu.memory_space<vmem>>)
    %add3A_152 = arith.constant 4920 : i32
    %add3A_153 = arith.addi %mul3A_2, %add3A_152 : i32
    "tpu.region"() ({
      %run_scoped3A = tpu.sem_alloc : memref<!tpu.dma_semaphore, #tpu.memory_space<semaphore_mem>>
      %dma_start3A_170 = arith.constant 0 : i32
      %dma_start3A_171 = tpu.memref_slice %arg5[%add3A_153, %dma_start3A_170] : memref<160000x128xf32, #tpu.memory_space<hbm>> -> memref<40x128xf32, #tpu.memory_space<hbm>>
      %dma_start3A_172 = arith.constant 0 : i32
      %dma_start3A_173 = tpu.memref_slice %arg5[%add3A_153, %dma_start3A_172] : memref<160000x128xf32, #tpu.memory_space<hbm>> -> memref<40x128xf32, #tpu.memory_space<hbm>>
      tpu.enqueue_dma source(%arg12 : memref<40x128xf32, #tpu.memory_space<vmem>>) target(%dma_start3A_173 : memref<40x128xf32, #tpu.memory_space<hbm>>) target_semaphore(%run_scoped3A : memref<!tpu.dma_semaphore, #tpu.memory_space<semaphore_mem>>)
      %dma_wait3A_174 = arith.constant 0 : i32
      %dma_wait3A_175 = tpu.memref_slice %arg5[%add3A_153, %dma_wait3A_174] : memref<160000x128xf32, #tpu.memory_space<hbm>> -> memref<40x128xf32, #tpu.memory_space<hbm>>
      %dma_wait3A_176 = arith.constant 0 : i32
      %dma_wait3A_177 = tpu.memref_slice %arg5[%add3A_153, %dma_wait3A_176] : memref<160000x128xf32, #tpu.memory_space<hbm>> -> memref<40x128xf32, #tpu.memory_space<hbm>>
      tpu.wait_dma2 semaphore(%run_scoped3A : memref<!tpu.dma_semaphore, #tpu.memory_space<semaphore_mem>>) src(%arg12 : memref<40x128xf32, #tpu.memory_space<vmem>>) dst(%dma_wait3A_177 : memref<40x128xf32, #tpu.memory_space<hbm>>)
      tpu.yield
    }) : () -> ()
    "tpu.region"() ({
      %run_scoped3A = tpu.sem_alloc : memref<!tpu.dma_semaphore, #tpu.memory_space<semaphore_mem>>
      %dma_start3A_170 = arith.constant 0 : i32
      %dma_start3A_171 = tpu.memref_slice %arg6[%add3A_153, %dma_start3A_170] : memref<160000x128xf32, #tpu.memory_space<hbm>> -> memref<40x128xf32, #tpu.memory_space<hbm>>
      %dma_start3A_172 = arith.constant 0 : i32
      %dma_start3A_173 = tpu.memref_slice %arg6[%add3A_153, %dma_start3A_172] : memref<160000x128xf32, #tpu.memory_space<hbm>> -> memref<40x128xf32, #tpu.memory_space<hbm>>
      tpu.enqueue_dma source(%arg18 : memref<40x128xf32, #tpu.memory_space<vmem>>) target(%dma_start3A_173 : memref<40x128xf32, #tpu.memory_space<hbm>>) target_semaphore(%run_scoped3A : memref<!tpu.dma_semaphore, #tpu.memory_space<semaphore_mem>>)
      %dma_wait3A_174 = arith.constant 0 : i32
      %dma_wait3A_175 = tpu.memref_slice %arg6[%add3A_153, %dma_wait3A_174] : memref<160000x128xf32, #tpu.memory_space<hbm>> -> memref<40x128xf32, #tpu.memory_space<hbm>>
      %dma_wait3A_176 = arith.constant 0 : i32
      %dma_wait3A_177 = tpu.memref_slice %arg6[%add3A_153, %dma_wait3A_176] : memref<160000x128xf32, #tpu.memory_space<hbm>> -> memref<40x128xf32, #tpu.memory_space<hbm>>
      tpu.wait_dma2 semaphore(%run_scoped3A : memref<!tpu.dma_semaphore, #tpu.memory_space<semaphore_mem>>) src(%arg18 : memref<40x128xf32, #tpu.memory_space<vmem>>) dst(%dma_wait3A_177 : memref<40x128xf32, #tpu.memory_space<hbm>>)
      tpu.yield
    }) : () -> ()
    %dma_wait3A_154 = arith.constant 124 : i32
    %dma_wait3A_155 = arith.constant 0 : i32
    %dma_wait3A_156 = tpu.memref_slice %arg7[%dma_wait3A_154, %dma_wait3A_155] : memref<125x40xi32, #tpu.memory_space<vmem>> -> memref<1x40xi32, #tpu.memory_space<vmem>>
    %dma_wait3A_157 = tpu.memref_squeeze %dma_wait3A_156 : memref<1x40xi32, #tpu.memory_space<vmem>> -> memref<40xi32, #tpu.memory_space<vmem>>
    %dma_wait3A_158 = arith.constant 0 : i32
    %dma_wait3A_159 = arith.constant 0 : i32
    %dma_wait3A_160 = tpu.memref_slice %arg2[%dma_wait3A_158, %dma_wait3A_159] : memref<10000x128xf32, #tpu.memory_space<hbm>> -> memref<10000x128xf32, #tpu.memory_space<hbm>>
    tpu.wait_indirect_dma semaphore(%arg25 : memref<!tpu.dma_semaphore, #tpu.memory_space<semaphore_mem>>) src(%dma_wait3A_160 : memref<10000x128xf32, #tpu.memory_space<hbm>>) dst(%arg13 : memref<40x128xf32, #tpu.memory_space<vmem>>)
    %dma_wait3A_161 = arith.constant 124 : i32
    %dma_wait3A_162 = arith.constant 0 : i32
    %dma_wait3A_163 = tpu.memref_slice %arg8[%dma_wait3A_161, %dma_wait3A_162] : memref<125x40xi32, #tpu.memory_space<vmem>> -> memref<1x40xi32, #tpu.memory_space<vmem>>
    %dma_wait3A_164 = tpu.memref_squeeze %dma_wait3A_163 : memref<1x40xi32, #tpu.memory_space<vmem>> -> memref<40xi32, #tpu.memory_space<vmem>>
    %dma_wait3A_165 = arith.constant 0 : i32
    %dma_wait3A_166 = arith.constant 0 : i32
    %dma_wait3A_167 = tpu.memref_slice %arg2[%dma_wait3A_165, %dma_wait3A_166] : memref<10000x128xf32, #tpu.memory_space<hbm>> -> memref<10000x128xf32, #tpu.memory_space<hbm>>
    tpu.wait_indirect_dma semaphore(%arg31 : memref<!tpu.dma_semaphore, #tpu.memory_space<semaphore_mem>>) src(%dma_wait3A_167 : memref<10000x128xf32, #tpu.memory_space<hbm>>) dst(%arg19 : memref<40x128xf32, #tpu.memory_space<vmem>>)
    %add3A_168 = arith.constant 4960 : i32
    %add3A_169 = arith.addi %mul3A_2, %add3A_168 : i32
    "tpu.region"() ({
      %run_scoped3A = tpu.sem_alloc : memref<!tpu.dma_semaphore, #tpu.memory_space<semaphore_mem>>
      %dma_start3A_170 = arith.constant 0 : i32
      %dma_start3A_171 = tpu.memref_slice %arg5[%add3A_169, %dma_start3A_170] : memref<160000x128xf32, #tpu.memory_space<hbm>> -> memref<40x128xf32, #tpu.memory_space<hbm>>
      %dma_start3A_172 = arith.constant 0 : i32
      %dma_start3A_173 = tpu.memref_slice %arg5[%add3A_169, %dma_start3A_172] : memref<160000x128xf32, #tpu.memory_space<hbm>> -> memref<40x128xf32, #tpu.memory_space<hbm>>
      tpu.enqueue_dma source(%arg13 : memref<40x128xf32, #tpu.memory_space<vmem>>) target(%dma_start3A_173 : memref<40x128xf32, #tpu.memory_space<hbm>>) target_semaphore(%run_scoped3A : memref<!tpu.dma_semaphore, #tpu.memory_space<semaphore_mem>>)
      %dma_wait3A_174 = arith.constant 0 : i32
      %dma_wait3A_175 = tpu.memref_slice %arg5[%add3A_169, %dma_wait3A_174] : memref<160000x128xf32, #tpu.memory_space<hbm>> -> memref<40x128xf32, #tpu.memory_space<hbm>>
      %dma_wait3A_176 = arith.constant 0 : i32
      %dma_wait3A_177 = tpu.memref_slice %arg5[%add3A_169, %dma_wait3A_176] : memref<160000x128xf32, #tpu.memory_space<hbm>> -> memref<40x128xf32, #tpu.memory_space<hbm>>
      tpu.wait_dma2 semaphore(%run_scoped3A : memref<!tpu.dma_semaphore, #tpu.memory_space<semaphore_mem>>) src(%arg13 : memref<40x128xf32, #tpu.memory_space<vmem>>) dst(%dma_wait3A_177 : memref<40x128xf32, #tpu.memory_space<hbm>>)
      tpu.yield
    }) : () -> ()
    "tpu.region"() ({
      %run_scoped3A = tpu.sem_alloc : memref<!tpu.dma_semaphore, #tpu.memory_space<semaphore_mem>>
      %dma_start3A_170 = arith.constant 0 : i32
      %dma_start3A_171 = tpu.memref_slice %arg6[%add3A_169, %dma_start3A_170] : memref<160000x128xf32, #tpu.memory_space<hbm>> -> memref<40x128xf32, #tpu.memory_space<hbm>>
      %dma_start3A_172 = arith.constant 0 : i32
      %dma_start3A_173 = tpu.memref_slice %arg6[%add3A_169, %dma_start3A_172] : memref<160000x128xf32, #tpu.memory_space<hbm>> -> memref<40x128xf32, #tpu.memory_space<hbm>>
      tpu.enqueue_dma source(%arg19 : memref<40x128xf32, #tpu.memory_space<vmem>>) target(%dma_start3A_173 : memref<40x128xf32, #tpu.memory_space<hbm>>) target_semaphore(%run_scoped3A : memref<!tpu.dma_semaphore, #tpu.memory_space<semaphore_mem>>)
      %dma_wait3A_174 = arith.constant 0 : i32
      %dma_wait3A_175 = tpu.memref_slice %arg6[%add3A_169, %dma_wait3A_174] : memref<160000x128xf32, #tpu.memory_space<hbm>> -> memref<40x128xf32, #tpu.memory_space<hbm>>
      %dma_wait3A_176 = arith.constant 0 : i32
      %dma_wait3A_177 = tpu.memref_slice %arg6[%add3A_169, %dma_wait3A_176] : memref<160000x128xf32, #tpu.memory_space<hbm>> -> memref<40x128xf32, #tpu.memory_space<hbm>>
      tpu.wait_dma2 semaphore(%run_scoped3A : memref<!tpu.dma_semaphore, #tpu.memory_space<semaphore_mem>>) src(%arg19 : memref<40x128xf32, #tpu.memory_space<vmem>>) dst(%dma_wait3A_177 : memref<40x128xf32, #tpu.memory_space<hbm>>)
      tpu.yield
    }) : () -> ()
    return
  }
}

</mosaic_0001>

<sc_bundles>
// kernel: _gather.3.cloned.1.call-start
scs
__scs_entry_jumppad:
0x0: {  	(pc) =	sbr.rel $0x88, $3  }
0x1: {  	(tag) =	ssettag $0x0;
	lr =	simm.s32 $0x1  }
0x2: {  	[smem:$0x3F9E] =	sst lr;
	_ =	strace $0xD0000000  }
0x3: {  	_ = 	snop  }
0x4: {  	_ = 	snop  }
0x5: {  	_ = 	snop  }
0x6: {  	_ = 	snop  }
0x7: {  	_ = 	snop  }
__scs_overlays_trampoline_lowered:
0x8: {  	[smem:$0x3FAD] =	sst s0  }
0x9: {  	[smem:$0x3FAE] =	sst s1  }
0xa: {  	[smem:$0x3FAF] =	sst s2  }
0xb: {  	[smem:$0x3FB0] =	sst s3  }
0xc: {  	[smem:$0x3FB1] =	sst s4  }
0xd: {  	[smem:$0x3FB2] =	sst s5  }
0xe: {  	[smem:$0x3FB3] =	sst s6  }
0xf: {  	[smem:$0x3FB4] =	sst s7  }
0x10: {  	[smem:$0x3FB5] =	sst s8  }
0x11: {  	[smem:$0x3FB6] =	sst s9;
	s0 =	simm.s32 @!p0 $0x0  }
0x12: {  	s1 =	sld [smem:$0x3F9C];
	s0 =	simm.s32 @p0 $0x1  }
0x13: {  	[smem:$0x3FB7] =	sst s0;
	s0 =	simm.s32 @!p1 $0x0  }
0x14: {  	s2 =	sld [smem:$0x3F9B];
	s0 =	simm.s32 @p1 $0x1  }
0x15: {  	[smem:$0x3FB8] =	sst s0;
	s0 =	simm.s32 @!p2 $0x0  }
0x16: {  	s3 =	sld [smem:$0x3FDB];
	s0 =	simm.s32 @p2 $0x1  }
0x17: {  	s4 =	simm.s32 $0x1BF5;
	[smem:$0x3FBA] =	sst s0  }
0x18: {  	s0 =	sld [smem:$0x3F9D];
	_ =	swait.ge [sflag:s4], $0x0  }
0x19: {  	s7 =	sld [smem:$0x3F9E]  }
0x1a: {  	s8 =	sadd.s32 $0xFFFFE003, lr  }
0x1b: {  	s9 =	sadd.s32 $0xFFFFFEF7, lr;
	s5 =	simm.s32 $0xFFFFFFFF;
	p2 =	slt.u32 s8, $0xFFFFF086  }
0x1c: {  	p1 =	slt.u32 s9, $0xF7A;
	s5 =	simm.s32 @!p2 $0x0  }
0x1d: {  	s5 =	simm.s32 @p1 $0x1;
	p0 =	seq.s32 s7, s2  }
0x1e: {  	s7 =	smul.u32 @!p0 $0xF7A, s2;
	p2 =	seq.s32 @!p0 s5, $0x0  }
0x1f: {  	s9 =	smul.u32 $0xF7A, s1;
	s8 =	simm.s32 @!p0 $0x1BF5;
	p2 =	por !p2, p0  }
0x20: {  	[sflag:s8] =	ssyncset.s32 @!p0 $0xFFFFF086;
	s6 =	sadd.s32 @!p0 s3, s7;
	s7 =	simm.s32 @!p0 $0x108  }
0x21: {  	s3 =	sadd.s32 s3, s9;
	s6 =	sadd.s32 @!p0 $0x88, s6;
	s7 =	simm.s32 @p2 $0x1082  }
0x22: {  	[simem:s7], [sflag:s8] =	dma.local @!p0 [hbm:s6], $0xF7A  }
0x23: {  	s9 =	sor.u32 $0xD0000000, s2;
	s6 =	simm.s32 $0x108;
	_ =	swait.ge @!p0 [sflag:s8], $0x0  }
0x24: {  	s3 =	sadd.s32 $0x88, s3;
	s6 =	simm.s32 @!p1 $0x1082;
	[sflag:s4] =	ssyncset.s32 $0xFFFFF086  }
0x25: {  	[simem:s6], [sflag:s4] =	dma.local [hbm:s3], $0xF7A  }
0x26: {  	[smem:$0x3F9E] =	sst s1;
	(tag) =	ssettag s2;
	_ =	strace s9  }
0x27: {  	s1 =	sld [smem:$0x3FAE]  }
0x28: {  	s2 =	sld [smem:$0x3FAF]  }
0x29: {  	s4 =	sld [smem:$0x3FB1]  }
0x2a: {  	p0 =	seq.s32 s5, $0x0;
	s5 =	sld [smem:$0x3FB2]  }
0x2b: {  	s6 =	sld [smem:$0x3FB3]  }
0x2c: {  	s7 =	sld [smem:$0x3FB4]  }
0x2d: {  	s3 =	simm.s32 $0x108;
	s8 =	sld [smem:$0x3FB5]  }
0x2e: {  	s3 =	simm.s32 @!p0 $0x1082;
	s9 =	sld [smem:$0x3FB6]  }
0x2f: {  	lr =	sadd.s32 s0, s3;
	s0 =	sld [smem:$0x3FAD]  }
0x30: {  	s3 =	sld [smem:$0x3FB0]  }
0x31: {  	[smem:$0x3FB9] =	sst s10  }
0x32: {  	s10 =	sld [smem:$0x3FB7];
	_ =	sdelay $0x3  }
0x33: {  	p0 =	seq.s32 s10, $0x1;
	s10 =	sld [smem:$0x3FB9];
	_ =	sdelay $0x3  }
0x34: {  	[smem:$0x3FB9] =	sst s10  }
0x35: {  	s10 =	sld [smem:$0x3FB8];
	_ =	sdelay $0x3  }
0x36: {  	p1 =	seq.s32 s10, $0x1;
	s10 =	sld [smem:$0x3FB9];
	_ =	sdelay $0x3  }
0x37: {  	[smem:$0x3FB9] =	sst s10  }
0x38: {  	s10 =	sld [smem:$0x3FBA]  }
0x39: {  	_ = 	snop;
	(pc) =	sbr.ind lr, $3  }
0x3a: {  	_ = 	snop  }
0x3b: {  	_ = 	snop  }
0x3c: {  	p2 =	seq.s32 s10, $0x1;
	s10 =	sld [smem:$0x3FB9]  }
0x3d: {  	_ =	shalt  }
0x3e: {  	_ =	shalt  }
0x3f: {  	_ =	shalt  }
0x40: {  	_ =	shalt  }
0x41: {  	_ =	shalt  }
0x42: {  	_ =	shalt  }
0x43: {  	_ =	shalt  }
0x44: {  	_ =	shalt  }
0x45: {  	_ =	shalt  }
0x46: {  	_ =	shalt  }
0x47: {  	_ =	shalt  }
0x48: {  	_ =	shalt  }
0x49: {  	_ =	shalt  }
0x4a: {  	_ =	shalt  }
0x4b: {  	_ =	shalt  }
0x4c: {  	_ =	shalt  }
0x4d: {  	_ =	shalt  }
0x4e: {  	_ =	shalt  }
0x4f: {  	_ =	shalt  }
0x50: {  	_ =	shalt  }
0x51: {  	_ =	shalt  }
0x52: {  	_ =	shalt  }
0x53: {  	_ =	shalt  }
0x54: {  	_ =	shalt  }
0x55: {  	_ =	shalt  }
0x56: {  	_ =	shalt  }
0x57: {  	_ =	shalt  }
0x58: {  	_ =	shalt  }
0x59: {  	_ =	shalt  }
0x5a: {  	_ =	shalt  }
0x5b: {  	_ =	shalt  }
0x5c: {  	_ =	shalt  }
0x5d: {  	_ =	shalt  }
0x5e: {  	_ =	shalt  }
0x5f: {  	_ =	shalt  }
0x60: {  	_ =	shalt  }
0x61: {  	_ =	shalt  }
0x62: {  	_ =	shalt  }
0x63: {  	_ =	shalt  }
0x64: {  	_ =	shalt  }
0x65: {  	_ =	shalt  }
0x66: {  	_ =	shalt  }
0x67: {  	_ =	shalt  }
0x68: {  	_ =	shalt  }
0x69: {  	_ =	shalt  }
0x6a: {  	_ =	shalt  }
0x6b: {  	_ =	shalt  }
0x6c: {  	_ =	shalt  }
0x6d: {  	_ =	shalt  }
0x6e: {  	_ =	shalt  }
0x6f: {  	_ =	shalt  }
0x70: {  	_ =	shalt  }
0x71: {  	_ =	shalt  }
0x72: {  	_ =	shalt  }
0x73: {  	_ =	shalt  }
0x74: {  	_ =	shalt  }
0x75: {  	_ =	shalt  }
0x76: {  	_ =	shalt  }
0x77: {  	_ =	shalt  }
0x78: {  	_ =	shalt  }
0x79: {  	_ =	shalt  }
0x7a: {  	_ =	shalt  }
0x7b: {  	_ =	shalt  }
0x7c: {  	_ =	shalt  }
0x7d: {  	_ =	shalt  }
0x7e: {  	_ =	shalt  }
0x7f: {  	_ =	shalt  }
0x80: {  	_ =	shalt  }
0x81: {  	_ =	shalt  }
0x82: {  	_ =	shalt  }
0x83: {  	_ =	shalt  }
0x84: {  	_ =	shalt  }
0x85: {  	_ =	shalt  }
0x86: {  	_ =	shalt  }
0x87: {  	_ =	shalt  }
.Lfunc_end0:
.L_simem_size_0:
called_computation_lowered:
.L_overlay_start_0:
0x88: {  	s2 =	sld [smem:$0x3FD9]  }
0x89: {  	s3 =	sld [smem:$0x3FFE];
	_ =	sdelay $0x1  }
0x8a: {  	s1 =	srdreg.scid  }
0x8b: {  	s0 =	sand.u32 $0x1, s1  }
0x8c: {  	s14 =	sshll.u32 s0, $0xA;
	s2 =	sadd.s32 s3, s2  }
0x8d: {  	s2 =	sadd.s32 s2, s14  }
0x8e: {  	[smem:$0x3FC5] =	sst s2  }
0x8f: {  	_ = 	snop  }
0x90: {  	s2 =	sld [smem:$0x3FD0];
	_ =	sdelay $0x2  }
0x91: {  	s4 =	simm.s32 $0xA;
	s5 =	simm.s32 $0x10;
	s15 =	sld [smem:$0x3FC9]  }
0x92: {  	[smem:s5], [sflag:s4] =	dma.local [hbm:s2], $0x1  }
0x93: {  	_ =	swait.eq [sflag:s4], $0x1  }
0x94: {  	[sflag:s4] =	ssyncset.done $0x0  }
0x95: {  	s16 =	sld [smem:$0x10];
	[sflag:s4] =	ssyncadd.s32 $0xFFFFFFFF  }
0x96: {  	s17 =	sld [smem:$0x11];
	(tm) =	ssettm $0x1  }
0x97: {  	s18 =	sld [smem:$0x3FFB];
	_ =	sdelay $0x3  }
0x98: {  	_ =	strace s18  }
0x99: {  	s5 =	sld [smem:$0x3FFC];
	_ =	sdelay $0x3  }
0x9a: {  	_ =	strace s5  }
0x9b: {  	s5 =	sld [smem:$0x3FFD];
	_ =	sdelay $0x3  }
0x9c: {  	_ =	strace s5  }
0x9d: {  	_ =	strace $0x8FFFFFFF  }
0x9e: {  	s19 =	sld [smem:$0x3FDB];
	_ =	sdelay $0x1  }
0x9f: {  	s6 =	simm.s32 $_scs_section_size  }
0xa0: {  	s7 =	simm.s32 $_size__tile_overlayer_lowered;
	s8 =	simm.s32 $_tile_overlayer_lowered  }
0xa1: {  	s22 =	simm.s32 $0x1BFF;
	s21 =	sshll.u32 s8, $0x1;
	s5 =	sadd.s32 s6, s19  }
0xa2: {  	s9 =	simm.s32 $0x0;
	s20 =	sshll.u32 s7, $0x1;
	s7 =	sadd.s32 s21, s5  }
0xa3: {  	[timem:s9], [sflag:s22] =	dma.local [hbm:s7], s20  }
0xa4: {  	_ =	swait.ge [sflag:s22], s20  }
0xa5: {  	s6 =	ssub.s32 $0x0, s20;
	[sflag:s22] =	ssyncset.done $0x0  }
0xa6: {  	[sflag:s22] =	ssyncadd.s32 s6;
	_ =	sdelay $0x1  }
0xa7: {  	s23 =	simm.s32 $0x1B8B  }
0xa8: {  	_ =	swait.ge [sflag:s23], $0x1  }
0xa9: {  	[sflag:s23] =	ssyncset.done $0x0  }
0xaa: {  	s25 =	simm.s32 $0x1B8E;
	s24 =	sld [smem:$0x3FFE];
	[sflag:s23] =	ssyncadd.s32 $0xFFFFFFFF  }
0xab: {  	s26 =	simm.s32 $execute0_lowered;
	[smem:$0x3FD2] =	sst s25  }
0xac: {  	s7 =	sshll.u32 s26, $0x1;
	_ =	strace $0x80000046;
	[dreg:$0x1] =	wrdreg $0xFFFFFFFF  }
0xad: {  	s28 =	simm.s32 $_size_execute0_lowered;
	s5 =	sadd.s32 s5, s7;
	[dreg:$0x0] =	wrdreg $0x0  }
0xae: {  	s7 =	sshll.u32 s28, $0x1;
	[dreg:$0x2] =	wrdreg s5  }
0xaf: {  	[dreg:$0x3] =	wrdreg s7  }
0xb0: {  	[dreg:$0x4] =	wrdreg $0xC0  }
0xb1: {  	_ =	task [dreg:s9], $0x5FFFF  }
0xb2: {  	[dreg:$0x1] =	wrdreg $0xFFFFFFFF  }
0xb3: {  	[dreg:$0x0] =	wrdreg $0x60  }
0xb4: {  	[dreg:$0x2] =	wrdreg s15  }
0xb5: {  	[dreg:$0x3] =	wrdreg s24  }
0xb6: {  	[dreg:$0x4] =	wrdreg s16  }
0xb7: {  	[dreg:$0x5] =	wrdreg s17  }
0xb8: {  	[dreg:$0x6] =	wrdreg $0x9  }
0xb9: {  	_ =	task.clear_ibuf [dreg:s9], $0x7FFFF;
	_ =	strace $0x90000046  }
0xba: {  	s29 =	simm.s32 $0x9;
	_ =	strace $0x80000048  }
0xbb: {  	_ =	swait.ge [sflag:s29], $0x1  }
0xbc: {  	[sflag:s29] =	ssyncadd.s32 $0xFFFFFFFF  }
0xbd: {  	_ =	strace $0x90000048  }
0xbe: {  	_ =	sfence  }
0xbf: {  	s30 =	sld [smem:$0x0];
	_ =	sdelay $0x2  }
0xc0: {  	s31 =	sshll.u32 s1, $0xD;
	s1 =	sshrl.u32 s1, $0x2  }
0xc1: {  	s3 =	sand.u32 $0x4000, s31;
	s1 =	sadd.s32 s1, s30  }
0xc2: {  	s0 =	sor.u32 s3, s0;
	s1 =	sshll.u32 s1, $0x11  }
0xc3: {  	s0 =	sor.u32 s1, s0  }
0xc4: {  	s0 =	sadd.s32 $0x8F2B, s0  }
0xc5: {  	[sflag:s0] =	ssyncadd.remote.s32 $0x1  }
0xc6: {  	_ =	sfence.sel $0xFFFF  }
0xc7: {  	[dreg:$0x0] =	wrdreg $0xFFFFFFFF;
	(pc) =	sbr.abs _section_cstart, $3  }
0xc8: {  	[dreg:$0x1] =	wrdreg $0xFFFFFFFF  }
0xc9: {  	_ =	task.clear_ibuf [dreg:s9], $0x2FFFF;
	_ =	strace $0x9FFFFFFF  }
0xca: {  	(tm) =	ssettm $0x7FFFFFFF  }
0xcb: {  	_ =	shalt  }
tec
execute0_lowered:
.L_overlay_start_1:
0x0: {  	(tag) =	ssettag $0x1  }
0x1: {  	s1 =	rddreg [dreg:$0x0]  }
0x2: {  	s0 =	rddreg [dreg:$0x1]  }
0x3: {  	s2 =	rddreg [dreg:$0x2];
	s3 =	srdreg.scid  }
0x4: {  	s9 =	stileid.u32;
	s4 =	rddreg [dreg:$0x3];
	s28 =	simm.s32 $0x9400  }
0x5: {  	s30 =	simm.s32 $0x10C00;
	s29 =	simm.s32 $0x13400;
	s31 =	simm.s32 $0x14800  }
0x6: {  	s10 =	simm.s32 $0x9;
	s11 =	simm.s32 $0x4;
	s5 =	sand.u32 $0x1, s3  }
0x7: {  	s6 =	sshll.u32 s9, $0x1;
	s3 =	simm.s32 $0x0;
	s22 =	smul.u32 $0x27100, s9  }
0x8: {  	s6 =	sor.u32 s5, s6;
	s8 =	ssub.s32 $0x2, s5;
	s5 =	smul.u32 $0x13880, s5  }
0x9: {  	s9 =	simm.s32 $0x3;
	[smem:$0x7FF] =	sst s3;
	s7 =	smul.u32 $0x9C400, s6  }
0xa: {  	_ =	strace $0x80000047;
	s6 =	sshll.u32 s6, $0xB;
	s12 =	sshrl.u32 s8, $0x1  }
0xb: {  	s24 =	sadd.s32 s22, s2;
	s26 =	sadd.s32 s22, s4;
	s22 =	simm.s32 $0xF800  }
0xc: {  	s0 =	sadd.s32 s6, s0;
	s6 =	ssub.s32 s8, s12;
	s12 =	simm.s32 $0xA  }
0xd: {  	s7 =	sshrl.u32 s7, $0x3;
	s13 =	sadd.s32 $0x600, s0;
	s0 =	sadd.s32 $0x10600, s0  }
0xe: {  	s25 =	smax.u32 s6, $0x1;
	s6 =	simm.s32 $0x7;
	[dreg:$0x5] =	wrdreg s13  }
0xf: {  	s14 =	sadd.s32 $0x12C00, s7;
	[dreg:$0x6] =	wrdreg s0;
	s16 =	sadd.s32 $0x12E80, s7  }
0x10: {  	s18 =	sadd.s32 $0x13100, s7;
	s20 =	sadd.s32 $0x13380, s7;
	s23 =	sadd.s32 $0x13600, s7  }
0x11: {  	[dreg:$0x11] =	wrdreg s25;
	s25 =	simm.s32 $0x12000;
	s15 =	sadd.s32 s2, s14  }
0x12: {  	s13 =	simm.s32 $0x5;
	s8 =	sadd.s32 s4, s14;
	[dreg:$0x7] =	wrdreg s15  }
0x13: {  	s17 =	sadd.s32 s2, s16;
	s0 =	sadd.s32 s4, s16;
	[dreg:$0x8] =	wrdreg s8  }
0x14: {  	s19 =	sadd.s32 s2, s18;
	s21 =	sadd.s32 s2, s20;
	[dreg:$0x9] =	wrdreg s17  }
0x15: {  	s7 =	sadd.s32 s2, s23;
	s14 =	simm.s32 $0xB;
	[dreg:$0xa] =	wrdreg s0  }
0x16: {  	s16 =	simm.s32 $0xC;
	s2 =	simm.s32 $0x0;
	[dreg:$0xb] =	wrdreg s19  }
0x17: {  	s8 =	sadd.s32 s4, s18;
	[dreg:$0xd] =	wrdreg s21;
	s0 =	sadd.s32 s4, s20  }
0x18: {  	[dreg:$0xf] =	wrdreg s7;
	s19 =	simm.s32 $0xD;
	s21 =	simm.s32 $0x28  }
0x19: {  	s20 =	simm.s32 $0x8000;
	s7 =	simm.s32 $0x2;
	[dreg:$0xc] =	wrdreg s8  }
.Ltmp0:
0x1a: {  	s15 =	simm.s32 $0x6;
	[dreg:$0xe] =	wrdreg s0;
	(pc) =	sbr.rel .LBB2_1-.Ltmp0, $4  }
0x1b: {  	s0 =	sadd.s32 s4, s23;
	s23 =	simm.s32 $0xA800;
	s4 =	simm.s32 $0x15C00  }
0x1c: {  	s8 =	simm.s32 $0x8;
	[dreg:$0x10] =	wrdreg s0;
	s0 =	sadd.s32 s5, s24  }
0x1d: {  	[dreg:$0x12] =	wrdreg s0;
	s0 =	sadd.s32 s5, s26;
	s26 =	simm.s32 $0xE400  }
0x1e: {  	s5 =	simm.s32 $0x1;
	[dreg:$0x13] =	wrdreg s0;
	s0 =	simm.s32 $0xD000  }
.LBB2_4:
0x1f: {  	_ =	swait.ge [sflag:s5], $0x1400  }
0x20: {  	[sflag:s5] =	ssyncset.done $0x0  }
0x21: {  	[sflag:s5] =	ssyncadd.s32 $0xFFFFEC00  }
0x22: {  	_ =	swait.ge [sflag:s6], $0x1400  }
0x23: {  	[sflag:s6] =	ssyncset.done $0x0  }
0x24: {  	s20 =	simm.s32 $0x8000;
	s17 =	rddreg [dreg:$0x7];
	[sflag:s6] =	ssyncadd.s32 $0xFFFFEC00  }
0x25: {  	[hbm4b:s17+s3] =	stream.linear.scatter [tilespmem:s20], [sflag:$0xD], $0x1400, $0x38;
	[tilespmem:$0x17000] =	vst v63  }
0x26: {  	_ =	swait.ge [sflag:s19], $0x1400  }
0x27: {  	[sflag:s19] =	ssyncset.done $0x0  }
0x28: {  	s22 =	simm.s32 $0xF800;
	s18 =	rddreg [dreg:$0x8];
	[sflag:s19] =	ssyncadd.s32 $0xFFFFEC00  }
0x29: {  	[hbm4b:s18+s3] =	stream.linear.scatter [tilespmem:s22], [sflag:$0xD], $0x1400, $0x38;
	[tilespmem:$0x17000] =	vst v63  }
0x2a: {  	_ =	swait.ge [sflag:s19], $0x1400  }
0x2b: {  	[sflag:s19] =	ssyncset.done $0x0  }
0x2c: {  	[sflag:s19] =	ssyncadd.s32 $0xFFFFEC00  }
0x2d: {  	_ =	swait.ge [sflag:s7], $0x1400  }
0x2e: {  	[sflag:s7] =	ssyncset.done $0x0  }
0x2f: {  	[sflag:s7] =	ssyncadd.s32 $0xFFFFEC00  }
0x30: {  	_ =	swait.ge [sflag:s8], $0x1400  }
0x31: {  	[sflag:s8] =	ssyncset.done $0x0  }
0x32: {  	s23 =	rddreg [dreg:$0x9];
	[sflag:s8] =	ssyncadd.s32 $0xFFFFEC00  }
0x33: {  	[hbm4b:s23+s3] =	stream.linear.scatter [tilespmem:s28], [sflag:$0xD], $0x1400, $0x38;
	[tilespmem:$0x17000] =	vst v63  }
0x34: {  	_ =	swait.ge [sflag:s19], $0x1400  }
0x35: {  	[sflag:s19] =	ssyncset.done $0x0  }
0x36: {  	s24 =	rddreg [dreg:$0xa];
	[sflag:s19] =	ssyncadd.s32 $0xFFFFEC00  }
0x37: {  	[hbm4b:s24+s3] =	stream.linear.scatter [tilespmem:s30], [sflag:$0xD], $0x1400, $0x38;
	[tilespmem:$0x17000] =	vst v63  }
0x38: {  	_ =	swait.ge [sflag:s19], $0x1400  }
0x39: {  	[sflag:s19] =	ssyncset.done $0x0  }
0x3a: {  	[sflag:s19] =	ssyncadd.s32 $0xFFFFEC00  }
0x3b: {  	_ =	swait.ge [sflag:s9], $0x1400  }
0x3c: {  	[sflag:s9] =	ssyncset.done $0x0  }
0x3d: {  	[sflag:s9] =	ssyncadd.s32 $0xFFFFEC00  }
0x3e: {  	_ =	swait.ge [sflag:s10], $0x1400  }
0x3f: {  	[sflag:s10] =	ssyncset.done $0x0  }
0x40: {  	s23 =	simm.s32 $0xA800;
	s25 =	rddreg [dreg:$0xb];
	[sflag:s10] =	ssyncadd.s32 $0xFFFFEC00  }
0x41: {  	[hbm4b:s25+s3] =	stream.linear.scatter [tilespmem:s23], [sflag:$0xD], $0x1400, $0x38;
	[tilespmem:$0x17000] =	vst v63  }
0x42: {  	_ =	swait.ge [sflag:s19], $0x1400  }
0x43: {  	[sflag:s19] =	ssyncset.done $0x0  }
0x44: {  	s25 =	simm.s32 $0x12000;
	s18 =	rddreg [dreg:$0xc];
	[sflag:s19] =	ssyncadd.s32 $0xFFFFEC00  }
0x45: {  	[hbm4b:s18+s3] =	stream.linear.scatter [tilespmem:s25], [sflag:$0xD], $0x1400, $0x38;
	[tilespmem:$0x17000] =	vst v63  }
0x46: {  	_ =	swait.ge [sflag:s19], $0x1400  }
0x47: {  	[sflag:s19] =	ssyncset.done $0x0  }
0x48: {  	[sflag:s19] =	ssyncadd.s32 $0xFFFFEC00  }
0x49: {  	_ =	swait.ge [sflag:s11], $0x1400  }
0x4a: {  	[sflag:s11] =	ssyncset.done $0x0  }
0x4b: {  	[sflag:s11] =	ssyncadd.s32 $0xFFFFEC00  }
0x4c: {  	_ =	swait.ge [sflag:s12], $0x1400  }
0x4d: {  	[sflag:s12] =	ssyncset.done $0x0  }
0x4e: {  	s24 =	rddreg [dreg:$0xd];
	[sflag:s12] =	ssyncadd.s32 $0xFFFFEC00  }
0x4f: {  	[hbm4b:s24+s3] =	stream.linear.scatter [tilespmem:s2], [sflag:$0xD], $0x1400, $0x38;
	[tilespmem:$0x17000] =	vst v63  }
0x50: {  	_ =	swait.ge [sflag:s19], $0x1400  }
0x51: {  	[sflag:s19] =	ssyncset.done $0x0  }
0x52: {  	s18 =	rddreg [dreg:$0xe];
	[sflag:s19] =	ssyncadd.s32 $0xFFFFEC00  }
0x53: {  	[hbm4b:s18+s3] =	stream.linear.scatter [tilespmem:s29], [sflag:$0xD], $0x1400, $0x38;
	[tilespmem:$0x17000] =	vst v63  }
0x54: {  	_ =	swait.ge [sflag:s19], $0x1400  }
0x55: {  	[sflag:s19] =	ssyncset.done $0x0  }
0x56: {  	[sflag:s19] =	ssyncadd.s32 $0xFFFFEC00  }
0x57: {  	_ =	swait.ge [sflag:s13], $0x1400  }
0x58: {  	[sflag:s13] =	ssyncset.done $0x0  }
0x59: {  	[sflag:s13] =	ssyncadd.s32 $0xFFFFEC00  }
0x5a: {  	_ =	swait.ge [sflag:s14], $0x1400  }
0x5b: {  	[sflag:s14] =	ssyncset.done $0x0  }
0x5c: {  	s24 =	rddreg [dreg:$0xf];
	[sflag:s14] =	ssyncadd.s32 $0xFFFFEC00  }
0x5d: {  	[hbm4b:s24+s3] =	stream.linear.scatter [tilespmem:s0], [sflag:$0xD], $0x1400, $0x38;
	[tilespmem:$0x17000] =	vst v63  }
0x5e: {  	_ =	swait.ge [sflag:s19], $0x1400  }
0x5f: {  	[sflag:s19] =	ssyncset.done $0x0  }
0x60: {  	s2 =	rddreg [dreg:$0x10];
	[sflag:s19] =	ssyncadd.s32 $0xFFFFEC00  }
0x61: {  	[hbm4b:s2+s3] =	stream.linear.scatter [tilespmem:s31], [sflag:$0xD], $0x1400, $0x38;
	[tilespmem:$0x17000] =	vst v63  }
0x62: {  	_ =	swait.ge [sflag:s19], $0x1400  }
0x63: {  	s18 =	rddreg [dreg:$0x14]  }
0x64: {  	s24 =	rddreg [dreg:$0x11];
	s2 =	sadd.s32 $0x1, s18  }
0x65: {  	p0 =	sne.s32 s2, s24  }
.Ltmp1:
0x66: {  	_ = 	snop;
	(pc) =	sbr.rel @!p0 .LBB2_5-.Ltmp1, $3  }
0x67: {  	_ =	sdelay $0x1  }
0x68: {  	[sflag:s19] =	ssyncset.done $0x0  }
0x69: {  	[sflag:s19] =	ssyncadd.s32 $0xFFFFEC00  }
.LBB2_1:
0x6a: {  	[dreg:$0x14] =	wrdreg s2  }
0x6b: {  	s17 =	rddreg [dreg:$0x5]  }
0x6c: {  	[tilespmem:s3], [sflag:$0xD] =	stream.linear.gather [hbm4b:s17+s3], $0x3E80, $0x38;
	[tilespmem:$0x17000] =	vst v63  }
0x6d: {  	_ =	swait.ge [sflag:s19], $0x3E80  }
0x6e: {  	[sflag:s19] =	ssyncset.done $0x0  }
0x6f: {  	s18 =	simm.s32 $0x4000;
	s2 =	rddreg [dreg:$0x6];
	[sflag:s19] =	ssyncadd.s32 $0xFFFFC180  }
0x70: {  	[tilespmem:s18], [sflag:$0xD] =	stream.linear.gather [hbm4b:s2+s3], $0x3E80, $0x38;
	[tilespmem:$0x17000] =	vst v63  }
0x71: {  	_ =	swait.ge [sflag:s19], $0x3E80  }
0x72: {  	[sflag:s19] =	ssyncset.done $0x0  }
0x73: {  	[sflag:s19] =	ssyncadd.s32 $0xFFFFC180  }
0x74: {  	[tilespmem:s20], [sflag:$0x1] =	stream.indirect.gather [hbm4b:s1+s21], $0x80, s3, s21, $0xb8;
	[tilespmem:$0x17000] =	vst v63  }
0x75: {  	_ = 	snop  }
0x76: {  	[tilespmem:s22], [sflag:$0x7] =	stream.indirect.gather [hbm4b:s1+s21], $0x80, s18, s21, $0xb8;
	[tilespmem:$0x17000] =	vst v63  }
0x77: {  	s24 =	simm.s32 $0x80  }
0x78: {  	[tilespmem:s28], [sflag:$0x2] =	stream.indirect.gather [hbm4b:s1+s21], $0x80, s24, s21, $0xb8;
	[tilespmem:$0x17000] =	vst v63  }
0x79: {  	s28 =	simm.s32 $0x4080  }
0x7a: {  	[tilespmem:s30], [sflag:$0x8] =	stream.indirect.gather [hbm4b:s1+s21], $0x80, s28, s21, $0xb8;
	[tilespmem:$0x17000] =	vst v63  }
0x7b: {  	s2 =	simm.s32 $0x100  }
0x7c: {  	[tilespmem:s23], [sflag:$0x3] =	stream.indirect.gather [hbm4b:s1+s21], $0x80, s2, s21, $0xb8;
	[tilespmem:$0x17000] =	vst v63  }
0x7d: {  	s20 =	simm.s32 $0x4100  }
0x7e: {  	[tilespmem:s25], [sflag:$0x9] =	stream.indirect.gather [hbm4b:s1+s21], $0x80, s20, s21, $0xb8;
	[tilespmem:$0x17000] =	vst v63  }
0x7f: {  	s18 =	simm.s32 $0xBC00;
	s22 =	simm.s32 $0x180  }
0x80: {  	[tilespmem:s18], [sflag:$0x4] =	stream.indirect.gather [hbm4b:s1+s21], $0x80, s22, s21, $0xb8;
	[tilespmem:$0x17000] =	vst v63  }
0x81: {  	s23 =	simm.s32 $0x4180  }
0x82: {  	[tilespmem:s29], [sflag:$0xA] =	stream.indirect.gather [hbm4b:s1+s21], $0x80, s23, s21, $0xb8;
	[tilespmem:$0x17000] =	vst v63  }
0x83: {  	s24 =	simm.s32 $0x200  }
0x84: {  	[tilespmem:s0], [sflag:$0x5] =	stream.indirect.gather [hbm4b:s1+s21], $0x80, s24, s21, $0xb8;
	[tilespmem:$0x17000] =	vst v63  }
0x85: {  	s25 =	simm.s32 $0x4200  }
0x86: {  	[tilespmem:s31], [sflag:$0xB] =	stream.indirect.gather [hbm4b:s1+s21], $0x80, s25, s21, $0xb8;
	[tilespmem:$0x17000] =	vst v63  }
0x87: {  	s17 =	simm.s32 $0x0;
	s28 =	simm.s32 $0x280  }
0x88: {  	[tilespmem:s26], [sflag:$0x6] =	stream.indirect.gather [hbm4b:s1+s21], $0x80, s28, s21, $0xb8;
	[tilespmem:$0x17000] =	vst v63  }
0x89: {  	s30 =	simm.s32 $0x4280;
	s20 =	simm.s32 $0x0;
	s24 =	simm.s32 $0xE400  }
0x8a: {  	[tilespmem:s4], [sflag:$0xC] =	stream.indirect.gather [hbm4b:s1+s21], $0x80, s30, s21, $0xb8;
	[tilespmem:$0x17000] =	vst v63  }
.LBB2_2:
0x8b: {  	_ =	swait.ge [sflag:s5], $0x1400  }
0x8c: {  	[sflag:s5] =	ssyncset.done $0x0  }
0x8d: {  	[sflag:s5] =	ssyncadd.s32 $0xFFFFEC00  }
0x8e: {  	_ =	swait.ge [sflag:s6], $0x1400  }
0x8f: {  	[sflag:s6] =	ssyncset.done $0x0;
	s18 =	rddreg [dreg:$0x12]  }
0x90: {  	s28 =	simm.s32 $0x8000;
	[sflag:s6] =	ssyncadd.s32 $0xFFFFEC00;
	s22 =	sadd.s32 s17, s18  }
0x91: {  	[hbm4b:s22+s3] =	stream.linear.scatter [tilespmem:s28], [sflag:$0xD], $0x1400, $0x38;
	[tilespmem:$0x17000] =	vst v63  }
0x92: {  	_ =	swait.ge [sflag:s19], $0x1400  }
0x93: {  	[sflag:s19] =	ssyncset.done $0x0;
	s26 =	rddreg [dreg:$0x13]  }
0x94: {  	s30 =	simm.s32 $0xF800;
	[sflag:s19] =	ssyncadd.s32 $0xFFFFEC00;
	s23 =	sadd.s32 s17, s26  }
0x95: {  	[hbm4b:s23+s3] =	stream.linear.scatter [tilespmem:s30], [sflag:$0xD], $0x1400, $0x38;
	[tilespmem:$0x17000] =	vst v63  }
0x96: {  	_ =	swait.ge [sflag:s19], $0x1400  }
0x97: {  	s18 =	sshra.s32 s20, $0x2;
	[sflag:s19] =	ssyncset.done $0x0  }
0x98: {  	s25 =	sadd.s32 $0x300, s18;
	[sflag:s19] =	ssyncadd.s32 $0xFFFFEC00  }
0x99: {  	[tilespmem:s28], [sflag:$0x1] =	stream.indirect.gather [hbm4b:s1+s21], $0x80, s25, s21, $0xb8;
	[tilespmem:$0x17000] =	vst v63  }
0x9a: {  	s2 =	sadd.s32 $0x4300, s18  }
0x9b: {  	[tilespmem:s30], [sflag:$0x7] =	stream.indirect.gather [hbm4b:s1+s21], $0x80, s2, s21, $0xb8;
	[tilespmem:$0x17000] =	vst v63  }
0x9c: {  	_ =	swait.ge [sflag:s7], $0x1400  }
0x9d: {  	[sflag:s7] =	ssyncset.done $0x0  }
0x9e: {  	[sflag:s7] =	ssyncadd.s32 $0xFFFFEC00  }
0x9f: {  	_ =	swait.ge [sflag:s8], $0x1400  }
0xa0: {  	[sflag:s8] =	ssyncset.done $0x0  }
0xa1: {  	s26 =	sadd.s32 $0x280, s22;
	s28 =	simm.s32 $0x9400;
	[sflag:s8] =	ssyncadd.s32 $0xFFFFEC00  }
0xa2: {  	[hbm4b:s26+s3] =	stream.linear.scatter [tilespmem:s28], [sflag:$0xD], $0x1400, $0x38;
	[tilespmem:$0x17000] =	vst v63  }
0xa3: {  	_ =	swait.ge [sflag:s19], $0x1400  }
0xa4: {  	[sflag:s19] =	ssyncset.done $0x0  }
0xa5: {  	s2 =	sadd.s32 $0x280, s23;
	s30 =	simm.s32 $0x10C00;
	[sflag:s19] =	ssyncadd.s32 $0xFFFFEC00  }
0xa6: {  	[hbm4b:s2+s3] =	stream.linear.scatter [tilespmem:s30], [sflag:$0xD], $0x1400, $0x38;
	[tilespmem:$0x17000] =	vst v63  }
0xa7: {  	_ =	swait.ge [sflag:s19], $0x1400  }
0xa8: {  	[sflag:s19] =	ssyncset.done $0x0  }
0xa9: {  	s26 =	sadd.s32 $0x380, s18;
	[sflag:s19] =	ssyncadd.s32 $0xFFFFEC00  }
0xaa: {  	[tilespmem:s28], [sflag:$0x2] =	stream.indirect.gather [hbm4b:s1+s21], $0x80, s26, s21, $0xb8;
	[tilespmem:$0x17000] =	vst v63  }
0xab: {  	s2 =	sadd.s32 $0x4380, s18  }
0xac: {  	[tilespmem:s30], [sflag:$0x8] =	stream.indirect.gather [hbm4b:s1+s21], $0x80, s2, s21, $0xb8;
	[tilespmem:$0x17000] =	vst v63  }
0xad: {  	_ =	swait.ge [sflag:s9], $0x1400  }
0xae: {  	[sflag:s9] =	ssyncset.done $0x0  }
0xaf: {  	[sflag:s9] =	ssyncadd.s32 $0xFFFFEC00  }
0xb0: {  	_ =	swait.ge [sflag:s10], $0x1400  }
0xb1: {  	[sflag:s10] =	ssyncset.done $0x0  }
0xb2: {  	s26 =	sadd.s32 $0x500, s22;
	s2 =	simm.s32 $0xA800;
	[sflag:s10] =	ssyncadd.s32 $0xFFFFEC00  }
0xb3: {  	[hbm4b:s26+s3] =	stream.linear.scatter [tilespmem:s2], [sflag:$0xD], $0x1400, $0x38;
	[tilespmem:$0x17000] =	vst v63  }
0xb4: {  	_ =	swait.ge [sflag:s19], $0x1400  }
0xb5: {  	[sflag:s19] =	ssyncset.done $0x0  }
0xb6: {  	s25 =	sadd.s32 $0x500, s23;
	s26 =	simm.s32 $0x12000;
	[sflag:s19] =	ssyncadd.s32 $0xFFFFEC00  }
0xb7: {  	[hbm4b:s25+s3] =	stream.linear.scatter [tilespmem:s26], [sflag:$0xD], $0x1400, $0x38;
	[tilespmem:$0x17000] =	vst v63  }
0xb8: {  	_ =	swait.ge [sflag:s19], $0x1400  }
0xb9: {  	[sflag:s19] =	ssyncset.done $0x0  }
0xba: {  	s25 =	sadd.s32 $0x400, s18;
	[sflag:s19] =	ssyncadd.s32 $0xFFFFEC00  }
0xbb: {  	[tilespmem:s2], [sflag:$0x3] =	stream.indirect.gather [hbm4b:s1+s21], $0x80, s25, s21, $0xb8;
	[tilespmem:$0x17000] =	vst v63  }
0xbc: {  	s2 =	sadd.s32 $0x4400, s18  }
0xbd: {  	[tilespmem:s26], [sflag:$0x9] =	stream.indirect.gather [hbm4b:s1+s21], $0x80, s2, s21, $0xb8;
	[tilespmem:$0x17000] =	vst v63  }
0xbe: {  	_ =	swait.ge [sflag:s11], $0x1400  }
0xbf: {  	[sflag:s11] =	ssyncset.done $0x0  }
0xc0: {  	[sflag:s11] =	ssyncadd.s32 $0xFFFFEC00  }
0xc1: {  	_ =	swait.ge [sflag:s12], $0x1400  }
0xc2: {  	[sflag:s12] =	ssyncset.done $0x0  }
0xc3: {  	s26 =	sadd.s32 $0x780, s22;
	s2 =	simm.s32 $0xBC00;
	[sflag:s12] =	ssyncadd.s32 $0xFFFFEC00  }
0xc4: {  	[hbm4b:s26+s3] =	stream.linear.scatter [tilespmem:s2], [sflag:$0xD], $0x1400, $0x38;
	[tilespmem:$0x17000] =	vst v63  }
0xc5: {  	_ =	swait.ge [sflag:s19], $0x1400  }
0xc6: {  	[sflag:s19] =	ssyncset.done $0x0  }
0xc7: {  	s26 =	sadd.s32 $0x780, s23;
	[sflag:s19] =	ssyncadd.s32 $0xFFFFEC00  }
0xc8: {  	[hbm4b:s26+s3] =	stream.linear.scatter [tilespmem:s29], [sflag:$0xD], $0x1400, $0x38;
	[tilespmem:$0x17000] =	vst v63  }
0xc9: {  	_ =	swait.ge [sflag:s19], $0x1400  }
0xca: {  	[sflag:s19] =	ssyncset.done $0x0  }
0xcb: {  	s26 =	sadd.s32 $0x480, s18;
	[sflag:s19] =	ssyncadd.s32 $0xFFFFEC00  }
0xcc: {  	[tilespmem:s2], [sflag:$0x4] =	stream.indirect.gather [hbm4b:s1+s21], $0x80, s26, s21, $0xb8;
	[tilespmem:$0x17000] =	vst v63  }
0xcd: {  	s26 =	sadd.s32 $0x4480, s18  }
0xce: {  	[tilespmem:s29], [sflag:$0xA] =	stream.indirect.gather [hbm4b:s1+s21], $0x80, s26, s21, $0xb8;
	[tilespmem:$0x17000] =	vst v63  }
0xcf: {  	_ =	swait.ge [sflag:s13], $0x1400  }
0xd0: {  	[sflag:s13] =	ssyncset.done $0x0  }
0xd1: {  	[sflag:s13] =	ssyncadd.s32 $0xFFFFEC00  }
0xd2: {  	_ =	swait.ge [sflag:s14], $0x1400  }
0xd3: {  	[sflag:s14] =	ssyncset.done $0x0  }
0xd4: {  	s26 =	sadd.s32 $0xA00, s22;
	[sflag:s14] =	ssyncadd.s32 $0xFFFFEC00  }
0xd5: {  	[hbm4b:s26+s3] =	stream.linear.scatter [tilespmem:s0], [sflag:$0xD], $0x1400, $0x38;
	[tilespmem:$0x17000] =	vst v63  }
0xd6: {  	_ =	swait.ge [sflag:s19], $0x1400  }
0xd7: {  	[sflag:s19] =	ssyncset.done $0x0  }
0xd8: {  	s26 =	sadd.s32 $0xA00, s23;
	[sflag:s19] =	ssyncadd.s32 $0xFFFFEC00  }
0xd9: {  	[hbm4b:s26+s3] =	stream.linear.scatter [tilespmem:s31], [sflag:$0xD], $0x1400, $0x38;
	[tilespmem:$0x17000] =	vst v63  }
0xda: {  	_ =	swait.ge [sflag:s19], $0x1400  }
0xdb: {  	[sflag:s19] =	ssyncset.done $0x0  }
0xdc: {  	s26 =	sadd.s32 $0x500, s18;
	[sflag:s19] =	ssyncadd.s32 $0xFFFFEC00  }
0xdd: {  	[tilespmem:s0], [sflag:$0x5] =	stream.indirect.gather [hbm4b:s1+s21], $0x80, s26, s21, $0xb8;
	[tilespmem:$0x17000] =	vst v63  }
0xde: {  	s26 =	sadd.s32 $0x4500, s18  }
0xdf: {  	[tilespmem:s31], [sflag:$0xB] =	stream.indirect.gather [hbm4b:s1+s21], $0x80, s26, s21, $0xb8;
	[tilespmem:$0x17000] =	vst v63  }
0xe0: {  	_ =	swait.ge [sflag:s15], $0x1400  }
0xe1: {  	[sflag:s15] =	ssyncset.done $0x0  }
0xe2: {  	[sflag:s15] =	ssyncadd.s32 $0xFFFFEC00  }
0xe3: {  	_ =	swait.ge [sflag:s16], $0x1400  }
0xe4: {  	[sflag:s16] =	ssyncset.done $0x0  }
0xe5: {  	s22 =	sadd.s32 $0xC80, s22;
	[sflag:s16] =	ssyncadd.s32 $0xFFFFEC00  }
0xe6: {  	[hbm4b:s22+s3] =	stream.linear.scatter [tilespmem:s24], [sflag:$0xD], $0x1400, $0x38;
	[tilespmem:$0x17000] =	vst v63  }
0xe7: {  	_ =	swait.ge [sflag:s19], $0x1400  }
0xe8: {  	p0 =	seq.s32 s17, $0x11D00;
	[sflag:s19] =	ssyncset.done $0x0  }
.Ltmp2:
0xe9: {  	s26 =	sadd.s32 $0xC80, s23;
	[sflag:s19] =	ssyncadd.s32 $0xFFFFEC00;
	(pc) =	sbr.rel @p0 .LBB2_4-.Ltmp2, $4  }
0xea: {  	[hbm4b:s26+s3] =	stream.linear.scatter [tilespmem:s4], [sflag:$0xD], $0x1400, $0x38;
	[tilespmem:$0x17000] =	vst v63  }
0xeb: {  	_ =	swait.ge [sflag:s19], $0x1400  }
0xec: {  	[sflag:s19] =	ssyncset.done $0x0  }
0xed: {  	s26 =	simm.s32 $0xE400;
	[sflag:s19] =	ssyncadd.s32 $0xFFFFEC00  }
.Ltmp3:
0xee: {  	(pc) =	sbr.rel .LBB2_2-.Ltmp3, $4  }
0xef: {  	s22 =	sadd.s32 $0x580, s18;
	s30 =	sadd.s32 $0x4580, s18  }
0xf0: {  	[tilespmem:s26], [sflag:$0x6] =	stream.indirect.gather [hbm4b:s1+s21], $0x80, s22, s21, $0xb8;
	[tilespmem:$0x17000] =	vst v63  }
0xf1: {  	s17 =	sadd.s32 $0xF00, s17;
	s20 =	sadd.s32 $0xC00, s20;
	s24 =	simm.s32 $0xE400  }
0xf2: {  	[tilespmem:s4], [sflag:$0xC] =	stream.indirect.gather [hbm4b:s1+s21], $0x80, s30, s21, $0xb8;
	[tilespmem:$0x17000] =	vst v63  }
.LBB2_5:
0xf3: {  	_ =	sfence.sel $0x180000  }
0xf4: {  	[bflag:$0x0] =	sbarrier.arrive $0xFFFF  }
0xf5: {  	_ =	strace $0x90000047  }
0xf6: {  	s0 =	stileid.u32;
	[bflag:$0x2] =	sbarrier.arrive $0xFFFF  }
0xf7: {  	p0 =	sne.s32 s0, $0x0;
	s0 =	rddreg [dreg:$0x4]  }
0xf8: {  	s0 =	sadd.s32 @!p0 $0x100000, s0  }
0xf9: {  	[sflag:s0] =	ssyncadd.tile.s32 @!p0 $0x1;
	_ =	shalt  }
.Lfunc_end2:
_tile_overlayer_lowered:
.L_overlay_start_2:
0xfa: {  	(tag) =	ssettag $0x2  }
0xfb: {  	s0 =	rddreg [dreg:$0x0];
	s2 =	stileid.u32  }
0xfc: {  	s1 =	rddreg [dreg:$0x1];
	p0 =	sne.s32 s2, $0x0  }
0xfd: {  	s3 =	rddreg [dreg:$0x2];
	[bflag:$0x3] =	sbarrier.arrive $0xFFFF;
	s2 =	simm.s32 @!p0 $0x1C0D  }
0xfe: {  	[timem:s3], [sflag:s2] =	dma.local @!p0 [hbm:s0], s1  }
0xff: {  	s0 =	simm.s32 @!p0 $0xD  }
0x100: {  	_ =	swait.ge @!p0 [sflag:s0], s1  }
0x101: {  	s1 =	ssub.s32 @!p0 $0x0, s1;
	[sflag:s0] =	ssyncset.done @!p0 $0x0  }
0x102: {  	[sflag:s0] =	ssyncadd.s32 @!p0 s1  }
0x103: {  	[bflag:$0x3] =	sbarrier.arrive $0xFFFF  }
0x104: {  	_ =	shalt  }

</sc_bundles>
